<compile_context>
chip_gen: v7x
topology: tpu7x:2x2x1
jax: 0.10.2.dev20260603
libtpu: 0.0.44.dev20260713+nightly
codegen_flags: <defaults>
</compile_context>

<pallas_src>
import functools

import jax
import jax.numpy as jnp
from jax.experimental import pallas as pl
from jax.experimental.pallas import tpu as pltpu
from jax.experimental.pallas import tpu_sc as plsc

R_BLK = 256
LANES = 128
GATHER_WIN = 128


def _argmax_body(shift_ref, x_ref, tok_ref, idx_ref, *, n_rb):
    c = x_ref.shape[2]
    n_chunks = c // LANES
    i = pl.program_id(0)
    r = pl.program_id(1)

    runmax = x_ref[0, :, 0:LANES]
    runcol = jnp.zeros((R_BLK, LANES), jnp.int32)
    for j in range(1, n_chunks):
        chunk = x_ref[0, :, j * LANES:(j + 1) * LANES]
        upd = chunk > runmax
        runmax = jnp.where(upd, chunk, runmax)
        runcol = jnp.where(upd, j, runcol)

    rowmax = jnp.max(runmax, axis=1, keepdims=True)
    lane = jax.lax.broadcasted_iota(jnp.int32, (R_BLK, LANES), 1)
    cfull = runcol * LANES + lane
    masked = jnp.where(runmax == rowmax, cfull, c)
    amax = jnp.min(masked, axis=1).reshape(1, R_BLK)
    tokens = amax + shift_ref[0]
    pos = (i * n_rb + r) * R_BLK
    tok_ref[0, pl.ds(pos, R_BLK)] = tokens[0]
    idx_ref[0, pl.ds(pos, R_BLK)] = jnp.clip(tokens[0], 0, c - 1)


def _argmax_tokens(pt, tokens_shift):
    b, hw, c = pt.shape
    n_rb = hw // R_BLK
    shift = jnp.asarray(tokens_shift, jnp.int32).reshape(1)

    tok, idx = pl.pallas_call(
        functools.partial(_argmax_body, n_rb=n_rb),
        grid=(b, n_rb),
        in_specs=[
            pl.BlockSpec(memory_space=pltpu.SMEM),
            pl.BlockSpec((1, R_BLK, c), lambda i, r: (i, r, 0)),
        ],
        out_specs=[
            pl.BlockSpec((1, b * hw), lambda i, r: (0, 0)),
            pl.BlockSpec((1, b * hw), lambda i, r: (0, 0)),
        ],
        out_shape=[
            jax.ShapeDtypeStruct((1, b * hw), jnp.int32),
            jax.ShapeDtypeStruct((1, b * hw), jnp.int32),
        ],
        compiler_params=pltpu.CompilerParams(
            dimension_semantics=("arbitrary", "arbitrary")
        ),
    )(shift, pt)
    return tok, idx


def _sc_gather(embeddings, idx_flat):
    n = idx_flat.shape[1]
    d = embeddings.shape[1]
    mesh = plsc.VectorSubcoreMesh(core_axis_name="core", subcore_axis_name="subcore")

    @pl.kernel(
        out_type=jax.ShapeDtypeStruct((n, d), embeddings.dtype),
        mesh=mesh,
    )
    def gk(e_hbm, i_hbm, o_hbm):
        def body(i_vmem, o_vmem):
            pltpu.sync_copy(e_hbm.at[i_vmem.at[0]], o_vmem)

        pltpu.emit_pipeline(
            body,
            grid=(n // GATHER_WIN,),
            in_specs=[pl.BlockSpec((1, GATHER_WIN), lambda i: (0, i))],
            out_specs=[pl.BlockSpec((GATHER_WIN, d), lambda i: (i, 0))],
            core_axis_name=("core", "subcore"),
            dimension_semantics=(pltpu.PARALLEL,),
        )(i_hbm, o_hbm)

    return gk(embeddings, idx_flat)


def kernel(probs, tokens_shift, embeddings):
    b, c, h, w = probs.shape
    hw = h * w
    d = embeddings.shape[1]

    pt = probs.transpose(0, 2, 3, 1).reshape(b, hw, c)
    tokens, idx = _argmax_tokens(pt, tokens_shift)
    g = _sc_gather(embeddings, idx)
    x = g.reshape(b, h, w, d).transpose(0, 3, 1, 2)
    return x, tokens.reshape(b, h, w)

# --- scband reference (transcript-rebuilt; emitter-appended) ---
"""Pipeline reference for scband-dvaetokens-8306466750662 (READ-ONLY COPY).

The authoritative reference and input builder live on the scoring server;
editing this copy changes nothing except your own understanding.
"""

import jax, jax.numpy as jnp
import numpy as np


def setup_inputs(seed: int = 0) -> dict:
    key = jax.random.key(seed)
    k1, k2 = jax.random.split(key)
    probs = jax.random.normal(k1, (8, 8192, 32, 32), dtype=jnp.float32)
    embeddings = jax.random.normal(k2, (8192, 256), dtype=jnp.float32) * 0.02
    tokens_shift = 0
    return {"probs": probs, "tokens_shift": tokens_shift, "embeddings": embeddings}


def reference(probs, tokens_shift, embeddings):
    # tokens = argmax over channel dim (detached in torch -> no grad path anyway)
    tokens = jnp.argmax(jax.lax.stop_gradient(probs), axis=1)  # [b, h, w] int
    tokens = tokens + tokens_shift
    # embedding lookup: gather rows of the codebook table
    x = jnp.take(embeddings, tokens, axis=0)  # [b, h, w, d]
    # rearrange 'b h w d -> b d h w'
    x = jnp.transpose(x, (0, 3, 1, 2))
    return (x, tokens)

if __name__ == "__main__":
    import jax
    _d = setup_inputs()
    print(jax.jit(kernel)(*tuple(_d.values())))

</pallas_src>

<mosaic_0001>
#map = affine_map<(d0, d1) -> (0, 0)>
module attributes {stable_mosaic.version = 14 : i64} {
  func.func @gk(%arg0: i32, %arg1: i32, %arg2: memref<8192x256xf32, #tpu.memory_space<hbm>>, %arg3: memref<1x8192xi32, #tpu.memory_space<hbm>>, %arg4: memref<8192x256xf32, #tpu.memory_space<hbm>>) attributes {dimension_semantics = [#tpu.dimension_semantics<core_parallel>, #tpu.dimension_semantics<subcore_parallel>], iteration_bounds = array<i64: 2, 16>, scalar_prefetch = 0 : i64, scratch_operands = 0 : i64, tpu.core_type = #tpu.core_type<sc_vector_subcore>, window_params = [{transform_indices = #map}, {transform_indices = #map}, {transform_indices = #map}]} {
    %mul3A = arith.constant 1 : i32
    %mul3A_0 = arith.muli %arg1, %mul3A : i32
    %add3A = arith.constant 0 : i32
    %add3A_1 = arith.addi %add3A, %mul3A_0 : i32
    %mul3A_2 = arith.constant 16 : i32
    %mul3A_3 = arith.muli %arg0, %mul3A_2 : i32
    %add3A_4 = arith.addi %add3A_1, %mul3A_3 : i32
    %mul3A_5 = arith.constant 2 : i32
    %mul3A_6 = arith.muli %add3A_4, %mul3A_5 : i32
    "tpu.region"() ({
      %run_scoped3A = memref.alloca() : memref<2x1x128xi32, #tpu.memory_space<vmem>>
      %run_scoped3A_7 = tpu.sem_alloc : memref<2x!tpu.dma_semaphore, #tpu.memory_space<semaphore_mem>>
      %run_scoped3A_8 = memref.alloca() : memref<2x128x256xf32, #tpu.memory_space<vmem>>
      %run_scoped3A_9 = tpu.sem_alloc : memref<2x!tpu.dma_semaphore, #tpu.memory_space<semaphore_mem>>
      %add3A_10 = arith.constant 0 : i32
      %add3A_11 = arith.addi %add3A_10, %mul3A_6 : i32
      %select_n3A = arith.constant true
      %select_n3A_12 = arith.constant 0 : i32
      %select_n3A_13 = arith.constant -1 : i32
      %select_n3A_14 = arith.select %select_n3A, %select_n3A_13, %select_n3A_12 : i32
      %eq3A = arith.constant -1 : i32
      %eq3A_15 = arith.cmpi eq, %select_n3A_14, %eq3A : i32
      %select_n3A_16 = arith.constant 1 : i32
      %select_n3A_17 = arith.select %eq3A_15, %select_n3A_16, %select_n3A_14 : i32
      %add3A_18 = arith.addi %select_n3A_17, %mul3A_6 : i32
      %select_n3A_19 = arith.constant true
      %select_n3A_20 = arith.constant 0 : i32
      %select_n3A_21 = arith.constant 1 : i32
      %select_n3A_22 = arith.select %select_n3A_19, %select_n3A_21, %select_n3A_20 : i32
      %eq3A_23 = arith.constant 2 : i32
      %eq3A_24 = arith.cmpi eq, %select_n3A_22, %eq3A_23 : i32
      %select_n3A_25 = arith.constant 0 : i32
      %select_n3A_26 = arith.select %eq3A_24, %select_n3A_25, %select_n3A_22 : i32
      %add3A_27 = arith.addi %select_n3A_26, %mul3A_6 : i32
      %add3A_28 = arith.constant 1 : i32
      %add3A_29 = arith.addi %select_n3A_26, %add3A_28 : i32
      %select_n3A_30 = arith.constant true
      %select_n3A_31 = arith.select %select_n3A_30, %add3A_29, %select_n3A_26 : i32
      %eq3A_32 = arith.constant 2 : i32
      %eq3A_33 = arith.cmpi eq, %select_n3A_31, %eq3A_32 : i32
      %select_n3A_34 = arith.constant 0 : i32
      %select_n3A_35 = arith.select %eq3A_33, %select_n3A_34, %select_n3A_31 : i32
      %add3A_36 = arith.addi %select_n3A_35, %mul3A_6 : i32
      "tpu.trace_start"() <{level = 10 : i32, message = "ep_initialize_0"}> : () -> ()
      %rem3A = arith.constant 0 : i32
      %rem3A_37 = arith.constant 2 : i32
      %rem3A_38 = arith.remui %rem3A, %rem3A_37 : i32
      %mul3A_39 = arith.constant 128 : i32
      %mul3A_40 = arith.muli %mul3A_39, %add3A_11 : i32
      %dma_start3A = arith.constant 0 : i32
      %dma_start3A_41 = arith.constant 0 : i32
      %dma_start3A_42 = tpu.memref_slice %run_scoped3A[%rem3A_38, %dma_start3A, %dma_start3A_41] : memref<2x1x128xi32, #tpu.memory_space<vmem>> -> memref<1x1x128xi32, #tpu.memory_space<vmem>>
      %dma_start3A_43 = tpu.memref_squeeze %dma_start3A_42 : memref<1x1x128xi32, #tpu.memory_space<vmem>> -> memref<1x128xi32, #tpu.memory_space<vmem>>
      %dma_start3A_44 = arith.constant 0 : i32
      %dma_start3A_45 = tpu.memref_slice %arg3[%dma_start3A_44, %mul3A_40] : memref<1x8192xi32, #tpu.memory_space<hbm>> -> memref<1x128xi32, #tpu.memory_space<hbm>>
      %dma_start3A_46 = tpu.memref_slice %run_scoped3A_7[%rem3A_38] : memref<2x!tpu.dma_semaphore, #tpu.memory_space<semaphore_mem>> -> memref<1x!tpu.dma_semaphore, #tpu.memory_space<semaphore_mem>>
      %dma_start3A_47 = tpu.memref_squeeze %dma_start3A_46 : memref<1x!tpu.dma_semaphore, #tpu.memory_space<semaphore_mem>> -> memref<!tpu.dma_semaphore, #tpu.memory_space<semaphore_mem>>
      %dma_start3A_48 = arith.constant 0 : i32
      %dma_start3A_49 = arith.constant 0 : i32
      %dma_start3A_50 = tpu.memref_slice %run_scoped3A[%rem3A_38, %dma_start3A_48, %dma_start3A_49] : memref<2x1x128xi32, #tpu.memory_space<vmem>> -> memref<1x1x128xi32, #tpu.memory_space<vmem>>
      %dma_start3A_51 = tpu.memref_squeeze %dma_start3A_50 : memref<1x1x128xi32, #tpu.memory_space<vmem>> -> memref<1x128xi32, #tpu.memory_space<vmem>>
      %dma_start3A_52 = arith.constant 0 : i32
      %dma_start3A_53 = tpu.memref_slice %arg3[%dma_start3A_52, %mul3A_40] : memref<1x8192xi32, #tpu.memory_space<hbm>> -> memref<1x128xi32, #tpu.memory_space<hbm>>
      tpu.enqueue_dma source(%dma_start3A_53 : memref<1x128xi32, #tpu.memory_space<hbm>>) target(%dma_start3A_51 : memref<1x128xi32, #tpu.memory_space<vmem>>) target_semaphore(%dma_start3A_47 : memref<!tpu.dma_semaphore, #tpu.memory_space<semaphore_mem>>)
      %add3A_54 = arith.constant 0 : i32
      %add3A_55 = arith.constant 1 : i32
      %add3A_56 = arith.addi %add3A_54, %add3A_55 : i32
      %select_n3A_57 = arith.constant true
      %select_n3A_58 = arith.constant 0 : i32
      %select_n3A_59 = arith.select %select_n3A_57, %add3A_56, %select_n3A_58 : i32
      "tpu.trace_stop"() : () -> ()
      %scan3A = arith.constant 0 : i32
      %scan3A_60 = arith.constant 0 : i32
      %scan3A_61 = arith.constant 0 : i32
      %scan3A_62 = arith.constant 0 : i32
      %scan3A_63 = arith.constant 0 : i32
      %scan3A_64 = arith.constant 2 : i32
      %scan3A_65 = arith.addi %scan3A_63, %scan3A_64 : i32
      %scan3A_66 = arith.constant 1 : i32
      %scan3A_67:5 = scf.for %scan3A_121 = %scan3A_63 to %scan3A_65 step %scan3A_66 iter_args(%scan3A_122 = %select_n3A_59, %scan3A_123 = %scan3A, %scan3A_124 = %scan3A_60, %scan3A_125 = %scan3A_61, %scan3A_126 = %scan3A_62) -> (i32, i32, i32, i32, i32)  : i32 {
        %eq3A_127 = arith.constant 0 : i32
        %eq3A_128 = arith.cmpi eq, %scan3A_121, %eq3A_127 : i32
        %eq3A_129 = arith.constant 1 : i32
        %eq3A_130 = arith.cmpi eq, %scan3A_121, %eq3A_129 : i32
        %add3A_131 = arith.addi %scan3A_126, %mul3A_6 : i32
        %sub3A_132 = arith.constant 1 : i32
        %sub3A_133 = arith.subi %scan3A_126, %sub3A_132 : i32
        %select_n3A_134 = arith.constant true
        %select_n3A_135 = arith.select %select_n3A_134, %sub3A_133, %scan3A_126 : i32
        %eq3A_136 = arith.constant -1 : i32
        %eq3A_137 = arith.cmpi eq, %select_n3A_135, %eq3A_136 : i32
        %select_n3A_138 = arith.constant 1 : i32
        %select_n3A_139 = arith.select %eq3A_137, %select_n3A_138, %select_n3A_135 : i32
        %add3A_140 = arith.addi %select_n3A_139, %mul3A_6 : i32
        %add3A_141 = arith.constant 1 : i32
        %add3A_142 = arith.addi %scan3A_126, %add3A_141 : i32
        %select_n3A_143 = arith.constant true
        %select_n3A_144 = arith.select %select_n3A_143, %add3A_142, %scan3A_126 : i32
        %eq3A_145 = arith.constant 2 : i32
        %eq3A_146 = arith.cmpi eq, %select_n3A_144, %eq3A_145 : i32
        %select_n3A_147 = arith.constant 0 : i32
        %select_n3A_148 = arith.select %eq3A_146, %select_n3A_147, %select_n3A_144 : i32
        %add3A_149 = arith.addi %select_n3A_148, %mul3A_6 : i32
        %add3A_150 = arith.constant 1 : i32
        %add3A_151 = arith.addi %select_n3A_148, %add3A_150 : i32
        %select_n3A_152 = arith.constant true
        %select_n3A_153 = arith.select %select_n3A_152, %add3A_151, %select_n3A_148 : i32
        %eq3A_154 = arith.constant 2 : i32
        %eq3A_155 = arith.cmpi eq, %select_n3A_153, %eq3A_154 : i32
        %select_n3A_156 = arith.constant 0 : i32
        %select_n3A_157 = arith.select %eq3A_155, %select_n3A_156, %select_n3A_153 : i32
        %add3A_158 = arith.addi %select_n3A_157, %mul3A_6 : i32
        %ne3A = arith.cmpi ne, %add3A_131, %add3A_149 : i32
        %or3A = arith.constant false
        %or3A_159 = arith.ori %or3A, %ne3A : i1
        %ge3A = arith.constant 1 : i32
        %ge3A_160 = arith.cmpi sge, %scan3A_121, %ge3A : i32
        %not3A = arith.constant true
        %not3A_161 = arith.xori %ge3A_160, %not3A : i1
        %and3A = arith.andi %or3A_159, %not3A_161 : i1
        %convert_element_type3A = arith.extui %and3A : i1 to i32
        %cond3A = arith.constant 0 : i32
        %cond3A_162 = arith.cmpi ne, %convert_element_type3A, %cond3A : i32
        scf.if %cond3A_162 {
          "tpu.trace_start"() <{level = 10 : i32, message = "ep_copy_in"}> : () -> ()
          %rem3A_264 = arith.constant 2 : i32
          %rem3A_265 = arith.remui %scan3A_122, %rem3A_264 : i32
          %mul3A_266 = arith.constant 128 : i32
          %mul3A_267 = arith.muli %mul3A_266, %add3A_149 : i32
          %dma_start3A_268 = arith.constant 0 : i32
          %dma_start3A_269 = arith.constant 0 : i32
          %dma_start3A_270 = tpu.memref_slice %run_scoped3A[%rem3A_265, %dma_start3A_268, %dma_start3A_269] : memref<2x1x128xi32, #tpu.memory_space<vmem>> -> memref<1x1x128xi32, #tpu.memory_space<vmem>>
          %dma_start3A_271 = tpu.memref_squeeze %dma_start3A_270 : memref<1x1x128xi32, #tpu.memory_space<vmem>> -> memref<1x128xi32, #tpu.memory_space<vmem>>
          %dma_start3A_272 = arith.constant 0 : i32
          %dma_start3A_273 = tpu.memref_slice %arg3[%dma_start3A_272, %mul3A_267] : memref<1x8192xi32, #tpu.memory_space<hbm>> -> memref<1x128xi32, #tpu.memory_space<hbm>>
          %dma_start3A_274 = tpu.memref_slice %run_scoped3A_7[%rem3A_265] : memref<2x!tpu.dma_semaphore, #tpu.memory_space<semaphore_mem>> -> memref<1x!tpu.dma_semaphore, #tpu.memory_space<semaphore_mem>>
          %dma_start3A_275 = tpu.memref_squeeze %dma_start3A_274 : memref<1x!tpu.dma_semaphore, #tpu.memory_space<semaphore_mem>> -> memref<!tpu.dma_semaphore, #tpu.memory_space<semaphore_mem>>
          %dma_start3A_276 = arith.constant 0 : i32
          %dma_start3A_277 = arith.constant 0 : i32
          %dma_start3A_278 = tpu.memref_slice %run_scoped3A[%rem3A_265, %dma_start3A_276, %dma_start3A_277] : memref<2x1x128xi32, #tpu.memory_space<vmem>> -> memref<1x1x128xi32, #tpu.memory_space<vmem>>
          %dma_start3A_279 = tpu.memref_squeeze %dma_start3A_278 : memref<1x1x128xi32, #tpu.memory_space<vmem>> -> memref<1x128xi32, #tpu.memory_space<vmem>>
          %dma_start3A_280 = arith.constant 0 : i32
          %dma_start3A_281 = tpu.memref_slice %arg3[%dma_start3A_280, %mul3A_267] : memref<1x8192xi32, #tpu.memory_space<hbm>> -> memref<1x128xi32, #tpu.memory_space<hbm>>
          tpu.enqueue_dma source(%dma_start3A_281 : memref<1x128xi32, #tpu.memory_space<hbm>>) target(%dma_start3A_279 : memref<1x128xi32, #tpu.memory_space<vmem>>) target_semaphore(%dma_start3A_275 : memref<!tpu.dma_semaphore, #tpu.memory_space<semaphore_mem>>)
          "tpu.trace_stop"() : () -> ()
        } else {
        }
        %and3A_163 = arith.constant true
        %and3A_164 = arith.andi %and3A, %and3A_163 : i1
        %add3A_165 = arith.constant 1 : i32
        %add3A_166 = arith.addi %scan3A_122, %add3A_165 : i32
        %select_n3A_167 = arith.select %and3A_164, %add3A_166, %scan3A_122 : i32
        %ne3A_168 = arith.cmpi ne, %add3A_131, %add3A_149 : i32
        %or3A_169 = arith.constant false
        %or3A_170 = arith.ori %or3A_169, %ne3A_168 : i1
        %or3A_171 = arith.constant false
        %or3A_172 = arith.ori %or3A_170, %or3A_171 : i1
        %ge3A_173 = arith.constant 1 : i32
        %ge3A_174 = arith.cmpi sge, %scan3A_121, %ge3A_173 : i32
        %not3A_175 = arith.constant true
        %not3A_176 = arith.xori %ge3A_174, %not3A_175 : i1
        %and3A_177 = arith.andi %or3A_172, %not3A_176 : i1
        %ne3A_178 = arith.cmpi ne, %add3A_131, %add3A_140 : i32
        %or3A_179 = arith.constant false
        %or3A_180 = arith.ori %or3A_179, %ne3A_178 : i1
        %or3A_181 = arith.ori %or3A_180, %eq3A_128 : i1
        %convert_element_type3A_182 = arith.extui %or3A_181 : i1 to i32
        %cond3A_183 = arith.constant 0 : i32
        %cond3A_184 = arith.cmpi ne, %convert_element_type3A_182, %cond3A_183 : i32
        scf.if %cond3A_184 {
          "tpu.trace_start"() <{level = 10 : i32, message = "ep_wait_in"}> : () -> ()
          %mul3A_264 = arith.constant 128 : i32
          %mul3A_265 = arith.muli %mul3A_264, %add3A_131 : i32
          %rem3A_266 = arith.constant 2 : i32
          %rem3A_267 = arith.remui %scan3A_123, %rem3A_266 : i32
          %dma_wait3A_268 = arith.constant 0 : i32
          %dma_wait3A_269 = arith.constant 0 : i32
          %dma_wait3A_270 = tpu.memref_slice %run_scoped3A[%rem3A_267, %dma_wait3A_268, %dma_wait3A_269] : memref<2x1x128xi32, #tpu.memory_space<vmem>> -> memref<1x1x128xi32, #tpu.memory_space<vmem>>
          %dma_wait3A_271 = tpu.memref_squeeze %dma_wait3A_270 : memref<1x1x128xi32, #tpu.memory_space<vmem>> -> memref<1x128xi32, #tpu.memory_space<vmem>>
          %dma_wait3A_272 = arith.constant 0 : i32
          %dma_wait3A_273 = tpu.memref_slice %arg3[%dma_wait3A_272, %mul3A_265] : memref<1x8192xi32, #tpu.memory_space<hbm>> -> memref<1x128xi32, #tpu.memory_space<hbm>>
          %dma_wait3A_274 = tpu.memref_slice %run_scoped3A_7[%rem3A_267] : memref<2x!tpu.dma_semaphore, #tpu.memory_space<semaphore_mem>> -> memref<1x!tpu.dma_semaphore, #tpu.memory_space<semaphore_mem>>
          %dma_wait3A_275 = tpu.memref_squeeze %dma_wait3A_274 : memref<1x!tpu.dma_semaphore, #tpu.memory_space<semaphore_mem>> -> memref<!tpu.dma_semaphore, #tpu.memory_space<semaphore_mem>>
          %dma_wait3A_276 = arith.constant 0 : i32
          %dma_wait3A_277 = arith.constant 0 : i32
          %dma_wait3A_278 = tpu.memref_slice %run_scoped3A[%rem3A_267, %dma_wait3A_276, %dma_wait3A_277] : memref<2x1x128xi32, #tpu.memory_space<vmem>> -> memref<1x1x128xi32, #tpu.memory_space<vmem>>
          %dma_wait3A_279 = tpu.memref_squeeze %dma_wait3A_278 : memref<1x1x128xi32, #tpu.memory_space<vmem>> -> memref<1x128xi32, #tpu.memory_space<vmem>>
          %dma_wait3A_280 = arith.constant 0 : i32
          %dma_wait3A_281 = tpu.memref_slice %arg3[%dma_wait3A_280, %mul3A_265] : memref<1x8192xi32, #tpu.memory_space<hbm>> -> memref<1x128xi32, #tpu.memory_space<hbm>>
          tpu.wait_dma2 semaphore(%dma_wait3A_275 : memref<!tpu.dma_semaphore, #tpu.memory_space<semaphore_mem>>) src(%dma_wait3A_281 : memref<1x128xi32, #tpu.memory_space<hbm>>) dst(%dma_wait3A_279 : memref<1x128xi32, #tpu.memory_space<vmem>>)
          "tpu.trace_stop"() : () -> ()
        } else {
        }
        %ne3A_185 = arith.cmpi ne, %add3A_131, %add3A_140 : i32
        %or3A_186 = arith.constant false
        %or3A_187 = arith.ori %or3A_186, %ne3A_185 : i1
        %or3A_188 = arith.constant false
        %or3A_189 = arith.ori %or3A_187, %or3A_188 : i1
        %or3A_190 = arith.ori %or3A_189, %eq3A_128 : i1
        %convert_element_type3A_191 = arith.extui %or3A_190 : i1 to i32
        %cond3A_192 = arith.constant 0 : i32
        %cond3A_193 = arith.cmpi ne, %convert_element_type3A_191, %cond3A_192 : i32
        scf.if %cond3A_193 {
        } else {
        }
        %rem3A_194 = arith.constant 2 : i32
        %rem3A_195 = arith.remui %scan3A_123, %rem3A_194 : i32
        %rem3A_196 = arith.constant 2 : i32
        %rem3A_197 = arith.remui %scan3A_124, %rem3A_196 : i32
        %run_scoped3A_198 = arith.constant 0 : i32
        "tpu.trace_start"() <{level = 10 : i32, message = "ep_run_kernel"}> : () -> ()
        "tpu.region"() ({
          %run_scoped3A_264 = tpu.sem_alloc : memref<!tpu.dma_semaphore, #tpu.memory_space<semaphore_mem>>
          %dma_start3A_265 = arith.constant 0 : i32
          %dma_start3A_266 = arith.constant 0 : i32
          %dma_start3A_267 = tpu.memref_slice %run_scoped3A_8[%rem3A_197, %dma_start3A_265, %dma_start3A_266] : memref<2x128x256xf32, #tpu.memory_space<vmem>> -> memref<1x128x256xf32, #tpu.memory_space<vmem>>
          %dma_start3A_268 = tpu.memref_squeeze %dma_start3A_267 : memref<1x128x256xf32, #tpu.memory_space<vmem>> -> memref<128x256xf32, #tpu.memory_space<vmem>>
          %dma_start3A_269 = arith.constant 0 : i32
          %dma_start3A_270 = arith.constant 0 : i32
          %dma_start3A_271 = tpu.memref_slice %run_scoped3A[%rem3A_195, %dma_start3A_269, %dma_start3A_270] : memref<2x1x128xi32, #tpu.memory_space<vmem>> -> memref<1x1x128xi32, #tpu.memory_space<vmem>>
          %dma_start3A_272 = tpu.memref_squeeze %dma_start3A_271 : memref<1x1x128xi32, #tpu.memory_space<vmem>> -> memref<1x128xi32, #tpu.memory_space<vmem>>
          %dma_start3A_273 = arith.constant 0 : i32
          %dma_start3A_274 = tpu.memref_slice %dma_start3A_272[%run_scoped3A_198, %dma_start3A_273] : memref<1x128xi32, #tpu.memory_space<vmem>> -> memref<1x128xi32, #tpu.memory_space<vmem>>
          %dma_start3A_275 = tpu.memref_squeeze %dma_start3A_274 : memref<1x128xi32, #tpu.memory_space<vmem>> -> memref<128xi32, #tpu.memory_space<vmem>>
          %dma_start3A_276 = arith.constant 0 : i32
          %dma_start3A_277 = arith.constant 0 : i32
          %dma_start3A_278 = tpu.memref_slice %arg2[%dma_start3A_276, %dma_start3A_277] : memref<8192x256xf32, #tpu.memory_space<hbm>> -> memref<8192x256xf32, #tpu.memory_space<hbm>>
          tpu.enqueue_indirect_dma source(%dma_start3A_278 : memref<8192x256xf32, #tpu.memory_space<hbm>>) target(%dma_start3A_268 : memref<128x256xf32, #tpu.memory_space<vmem>>) offsets(%dma_start3A_275 : memref<128xi32, #tpu.memory_space<vmem>>) semaphore(%run_scoped3A_264 : memref<!tpu.dma_semaphore, #tpu.memory_space<semaphore_mem>>)
          %dma_wait3A_279 = arith.constant 0 : i32
          %dma_wait3A_280 = arith.constant 0 : i32
          %dma_wait3A_281 = tpu.memref_slice %run_scoped3A_8[%rem3A_197, %dma_wait3A_279, %dma_wait3A_280] : memref<2x128x256xf32, #tpu.memory_space<vmem>> -> memref<1x128x256xf32, #tpu.memory_space<vmem>>
          %dma_wait3A_282 = tpu.memref_squeeze %dma_wait3A_281 : memref<1x128x256xf32, #tpu.memory_space<vmem>> -> memref<128x256xf32, #tpu.memory_space<vmem>>
          %dma_wait3A_283 = arith.constant 0 : i32
          %dma_wait3A_284 = arith.constant 0 : i32
          %dma_wait3A_285 = tpu.memref_slice %run_scoped3A[%rem3A_195, %dma_wait3A_283, %dma_wait3A_284] : memref<2x1x128xi32, #tpu.memory_space<vmem>> -> memref<1x1x128xi32, #tpu.memory_space<vmem>>
          %dma_wait3A_286 = tpu.memref_squeeze %dma_wait3A_285 : memref<1x1x128xi32, #tpu.memory_space<vmem>> -> memref<1x128xi32, #tpu.memory_space<vmem>>
          %dma_wait3A_287 = arith.constant 0 : i32
          %dma_wait3A_288 = tpu.memref_slice %dma_wait3A_286[%run_scoped3A_198, %dma_wait3A_287] : memref<1x128xi32, #tpu.memory_space<vmem>> -> memref<1x128xi32, #tpu.memory_space<vmem>>
          %dma_wait3A_289 = tpu.memref_squeeze %dma_wait3A_288 : memref<1x128xi32, #tpu.memory_space<vmem>> -> memref<128xi32, #tpu.memory_space<vmem>>
          %dma_wait3A_290 = arith.constant 0 : i32
          %dma_wait3A_291 = arith.constant 0 : i32
          %dma_wait3A_292 = tpu.memref_slice %arg2[%dma_wait3A_290, %dma_wait3A_291] : memref<8192x256xf32, #tpu.memory_space<hbm>> -> memref<8192x256xf32, #tpu.memory_space<hbm>>
          tpu.wait_indirect_dma semaphore(%run_scoped3A_264 : memref<!tpu.dma_semaphore, #tpu.memory_space<semaphore_mem>>) src(%dma_wait3A_292 : memref<8192x256xf32, #tpu.memory_space<hbm>>) dst(%dma_wait3A_282 : memref<128x256xf32, #tpu.memory_space<vmem>>)
          tpu.yield
        }) : () -> ()
        "tpu.trace_stop"() : () -> ()
        %ne3A_199 = arith.cmpi ne, %add3A_131, %add3A_149 : i32
        %or3A_200 = arith.constant false
        %or3A_201 = arith.ori %or3A_200, %ne3A_199 : i1
        %or3A_202 = arith.ori %or3A_201, %eq3A_130 : i1
        %convert_element_type3A_203 = arith.extui %or3A_202 : i1 to i32
        %cond3A_204 = arith.constant 0 : i32
        %cond3A_205 = arith.cmpi ne, %convert_element_type3A_203, %cond3A_204 : i32
        scf.if %cond3A_205 {
        } else {
        }
        %and3A_206 = arith.constant false
        %and3A_207 = arith.andi %or3A_202, %and3A_206 : i1
        %ne3A_208 = arith.cmpi ne, %add3A_131, %add3A_149 : i32
        %or3A_209 = arith.constant false
        %or3A_210 = arith.ori %or3A_209, %ne3A_208 : i1
        %or3A_211 = arith.constant false
        %or3A_212 = arith.ori %or3A_210, %or3A_211 : i1
        %or3A_213 = arith.ori %or3A_212, %eq3A_130 : i1
        %convert_element_type3A_214 = arith.extui %or3A_213 : i1 to i32
        %cond3A_215 = arith.constant 0 : i32
        %cond3A_216 = arith.cmpi ne, %convert_element_type3A_214, %cond3A_215 : i32
        scf.if %cond3A_216 {
          "tpu.trace_start"() <{level = 10 : i32, message = "ep_copy_out"}> : () -> ()
          %rem3A_264 = arith.constant 2 : i32
          %rem3A_265 = arith.remui %scan3A_124, %rem3A_264 : i32
          %mul3A_266 = arith.constant 128 : i32
          %mul3A_267 = arith.muli %mul3A_266, %add3A_131 : i32
          %dma_start3A_268 = arith.constant 0 : i32
          %dma_start3A_269 = arith.constant 0 : i32
          %dma_start3A_270 = tpu.memref_slice %run_scoped3A_8[%rem3A_265, %dma_start3A_268, %dma_start3A_269] : memref<2x128x256xf32, #tpu.memory_space<vmem>> -> memref<1x128x256xf32, #tpu.memory_space<vmem>>
          %dma_start3A_271 = tpu.memref_squeeze %dma_start3A_270 : memref<1x128x256xf32, #tpu.memory_space<vmem>> -> memref<128x256xf32, #tpu.memory_space<vmem>>
          %dma_start3A_272 = arith.constant 0 : i32
          %dma_start3A_273 = tpu.memref_slice %arg4[%mul3A_267, %dma_start3A_272] : memref<8192x256xf32, #tpu.memory_space<hbm>> -> memref<128x256xf32, #tpu.memory_space<hbm>>
          %dma_start3A_274 = tpu.memref_slice %run_scoped3A_9[%rem3A_265] : memref<2x!tpu.dma_semaphore, #tpu.memory_space<semaphore_mem>> -> memref<1x!tpu.dma_semaphore, #tpu.memory_space<semaphore_mem>>
          %dma_start3A_275 = tpu.memref_squeeze %dma_start3A_274 : memref<1x!tpu.dma_semaphore, #tpu.memory_space<semaphore_mem>> -> memref<!tpu.dma_semaphore, #tpu.memory_space<semaphore_mem>>
          %dma_start3A_276 = arith.constant 0 : i32
          %dma_start3A_277 = tpu.memref_slice %arg4[%mul3A_267, %dma_start3A_276] : memref<8192x256xf32, #tpu.memory_space<hbm>> -> memref<128x256xf32, #tpu.memory_space<hbm>>
          %dma_start3A_278 = arith.constant 0 : i32
          %dma_start3A_279 = arith.constant 0 : i32
          %dma_start3A_280 = tpu.memref_slice %run_scoped3A_8[%rem3A_265, %dma_start3A_278, %dma_start3A_279] : memref<2x128x256xf32, #tpu.memory_space<vmem>> -> memref<1x128x256xf32, #tpu.memory_space<vmem>>
          %dma_start3A_281 = tpu.memref_squeeze %dma_start3A_280 : memref<1x128x256xf32, #tpu.memory_space<vmem>> -> memref<128x256xf32, #tpu.memory_space<vmem>>
          tpu.enqueue_dma source(%dma_start3A_281 : memref<128x256xf32, #tpu.memory_space<vmem>>) target(%dma_start3A_277 : memref<128x256xf32, #tpu.memory_space<hbm>>) target_semaphore(%dma_start3A_275 : memref<!tpu.dma_semaphore, #tpu.memory_space<semaphore_mem>>)
          "tpu.trace_stop"() : () -> ()
        } else {
        }
        %and3A_217 = arith.constant true
        %and3A_218 = arith.andi %or3A_213, %and3A_217 : i1
        %add3A_219 = arith.constant 1 : i32
        %add3A_220 = arith.addi %scan3A_124, %add3A_219 : i32
        %select_n3A_221 = arith.select %and3A_218, %add3A_220, %scan3A_124 : i32
        %ne3A_222 = arith.cmpi ne, %add3A_131, %add3A_140 : i32
        %or3A_223 = arith.constant false
        %or3A_224 = arith.ori %or3A_223, %ne3A_222 : i1
        %not3A_225 = arith.constant true
        %not3A_226 = arith.xori %eq3A_128, %not3A_225 : i1
        %and3A_227 = arith.andi %or3A_224, %not3A_226 : i1
        %convert_element_type3A_228 = arith.extui %and3A_227 : i1 to i32
        %cond3A_229 = arith.constant 0 : i32
        %cond3A_230 = arith.cmpi ne, %convert_element_type3A_228, %cond3A_229 : i32
        scf.if %cond3A_230 {
        } else {
        }
        %and3A_231 = arith.constant false
        %and3A_232 = arith.andi %and3A_227, %and3A_231 : i1
        %ne3A_233 = arith.cmpi ne, %add3A_131, %add3A_140 : i32
        %or3A_234 = arith.constant false
        %or3A_235 = arith.ori %or3A_234, %ne3A_233 : i1
        %or3A_236 = arith.constant false
        %or3A_237 = arith.ori %or3A_235, %or3A_236 : i1
        %not3A_238 = arith.constant true
        %not3A_239 = arith.xori %eq3A_128, %not3A_238 : i1
        %and3A_240 = arith.andi %or3A_237, %not3A_239 : i1
        %convert_element_type3A_241 = arith.extui %and3A_240 : i1 to i32
        %cond3A_242 = arith.constant 0 : i32
        %cond3A_243 = arith.cmpi ne, %convert_element_type3A_241, %cond3A_242 : i32
        scf.if %cond3A_243 {
          "tpu.trace_start"() <{level = 10 : i32, message = "ep_wait_out"}> : () -> ()
          %rem3A_264 = arith.constant 2 : i32
          %rem3A_265 = arith.remui %scan3A_125, %rem3A_264 : i32
          %mul3A_266 = arith.constant 128 : i32
          %mul3A_267 = arith.muli %mul3A_266, %add3A_140 : i32
          %dma_wait3A_268 = arith.constant 0 : i32
          %dma_wait3A_269 = arith.constant 0 : i32
          %dma_wait3A_270 = tpu.memref_slice %run_scoped3A_8[%rem3A_265, %dma_wait3A_268, %dma_wait3A_269] : memref<2x128x256xf32, #tpu.memory_space<vmem>> -> memref<1x128x256xf32, #tpu.memory_space<vmem>>
          %dma_wait3A_271 = tpu.memref_squeeze %dma_wait3A_270 : memref<1x128x256xf32, #tpu.memory_space<vmem>> -> memref<128x256xf32, #tpu.memory_space<vmem>>
          %dma_wait3A_272 = arith.constant 0 : i32
          %dma_wait3A_273 = tpu.memref_slice %arg4[%mul3A_267, %dma_wait3A_272] : memref<8192x256xf32, #tpu.memory_space<hbm>> -> memref<128x256xf32, #tpu.memory_space<hbm>>
          %dma_wait3A_274 = tpu.memref_slice %run_scoped3A_9[%rem3A_265] : memref<2x!tpu.dma_semaphore, #tpu.memory_space<semaphore_mem>> -> memref<1x!tpu.dma_semaphore, #tpu.memory_space<semaphore_mem>>
          %dma_wait3A_275 = tpu.memref_squeeze %dma_wait3A_274 : memref<1x!tpu.dma_semaphore, #tpu.memory_space<semaphore_mem>> -> memref<!tpu.dma_semaphore, #tpu.memory_space<semaphore_mem>>
          %dma_wait3A_276 = arith.constant 0 : i32
          %dma_wait3A_277 = tpu.memref_slice %arg4[%mul3A_267, %dma_wait3A_276] : memref<8192x256xf32, #tpu.memory_space<hbm>> -> memref<128x256xf32, #tpu.memory_space<hbm>>
          %dma_wait3A_278 = arith.constant 0 : i32
          %dma_wait3A_279 = arith.constant 0 : i32
          %dma_wait3A_280 = tpu.memref_slice %run_scoped3A_8[%rem3A_265, %dma_wait3A_278, %dma_wait3A_279] : memref<2x128x256xf32, #tpu.memory_space<vmem>> -> memref<1x128x256xf32, #tpu.memory_space<vmem>>
          %dma_wait3A_281 = tpu.memref_squeeze %dma_wait3A_280 : memref<1x128x256xf32, #tpu.memory_space<vmem>> -> memref<128x256xf32, #tpu.memory_space<vmem>>
          tpu.wait_dma2 semaphore(%dma_wait3A_275 : memref<!tpu.dma_semaphore, #tpu.memory_space<semaphore_mem>>) src(%dma_wait3A_281 : memref<128x256xf32, #tpu.memory_space<vmem>>) dst(%dma_wait3A_277 : memref<128x256xf32, #tpu.memory_space<hbm>>)
          "tpu.trace_stop"() : () -> ()
        } else {
        }
        %and3A_244 = arith.constant true
        %and3A_245 = arith.andi %and3A_240, %and3A_244 : i1
        %add3A_246 = arith.constant 1 : i32
        %add3A_247 = arith.addi %scan3A_125, %add3A_246 : i32
        %select_n3A_248 = arith.select %and3A_245, %add3A_247, %scan3A_125 : i32
        %ne3A_249 = arith.cmpi ne, %add3A_131, %add3A_149 : i32
        %or3A_250 = arith.constant false
        %or3A_251 = arith.ori %or3A_250, %ne3A_249 : i1
        %or3A_252 = arith.ori %or3A_251, %eq3A_130 : i1
        %add3A_253 = arith.constant 1 : i32
        %add3A_254 = arith.addi %scan3A_123, %add3A_253 : i32
        %select_n3A_255 = arith.select %or3A_252, %add3A_254, %scan3A_123 : i32
        %add3A_256 = arith.constant 1 : i32
        %add3A_257 = arith.addi %scan3A_126, %add3A_256 : i32
        %select_n3A_258 = arith.constant true
        %select_n3A_259 = arith.select %select_n3A_258, %add3A_257, %scan3A_126 : i32
        %eq3A_260 = arith.constant 2 : i32
        %eq3A_261 = arith.cmpi eq, %select_n3A_259, %eq3A_260 : i32
        %select_n3A_262 = arith.constant 0 : i32
        %select_n3A_263 = arith.select %eq3A_261, %select_n3A_262, %select_n3A_259 : i32
        scf.yield %select_n3A_167, %select_n3A_255, %select_n3A_221, %select_n3A_248, %select_n3A_263 : i32, i32, i32, i32, i32
      }
      %scan3A_68 = arith.constant 2 : i32
      %sub3A = arith.constant 1 : i32
      %sub3A_69 = arith.subi %scan3A_67#4, %sub3A : i32
      %select_n3A_70 = arith.constant true
      %select_n3A_71 = arith.select %select_n3A_70, %sub3A_69, %scan3A_67#4 : i32
      %eq3A_72 = arith.constant -1 : i32
      %eq3A_73 = arith.cmpi eq, %select_n3A_71, %eq3A_72 : i32
      %select_n3A_74 = arith.constant 1 : i32
      %select_n3A_75 = arith.select %eq3A_73, %select_n3A_74, %select_n3A_71 : i32
      %add3A_76 = arith.addi %select_n3A_75, %mul3A_6 : i32
      %sub3A_77 = arith.constant 1 : i32
      %sub3A_78 = arith.subi %select_n3A_75, %sub3A_77 : i32
      %select_n3A_79 = arith.constant true
      %select_n3A_80 = arith.select %select_n3A_79, %sub3A_78, %select_n3A_75 : i32
      %eq3A_81 = arith.constant -1 : i32
      %eq3A_82 = arith.cmpi eq, %select_n3A_80, %eq3A_81 : i32
      %select_n3A_83 = arith.constant 1 : i32
      %select_n3A_84 = arith.select %eq3A_82, %select_n3A_83, %select_n3A_80 : i32
      %add3A_85 = arith.addi %select_n3A_84, %mul3A_6 : i32
      %add3A_86 = arith.constant 1 : i32
      %add3A_87 = arith.addi %select_n3A_75, %add3A_86 : i32
      %select_n3A_88 = arith.constant true
      %select_n3A_89 = arith.select %select_n3A_88, %add3A_87, %select_n3A_75 : i32
      %eq3A_90 = arith.constant 2 : i32
      %eq3A_91 = arith.cmpi eq, %select_n3A_89, %eq3A_90 : i32
      %select_n3A_92 = arith.constant 0 : i32
      %select_n3A_93 = arith.select %eq3A_91, %select_n3A_92, %select_n3A_89 : i32
      %add3A_94 = arith.addi %select_n3A_93, %mul3A_6 : i32
      %add3A_95 = arith.constant 1 : i32
      %add3A_96 = arith.addi %select_n3A_93, %add3A_95 : i32
      %select_n3A_97 = arith.constant true
      %select_n3A_98 = arith.select %select_n3A_97, %add3A_96, %select_n3A_93 : i32
      %eq3A_99 = arith.constant 2 : i32
      %eq3A_100 = arith.cmpi eq, %select_n3A_98, %eq3A_99 : i32
      %select_n3A_101 = arith.constant 0 : i32
      %select_n3A_102 = arith.select %eq3A_100, %select_n3A_101, %select_n3A_98 : i32
      %add3A_103 = arith.addi %select_n3A_102, %mul3A_6 : i32
      "tpu.trace_start"() <{level = 10 : i32, message = "ep_finalize"}> : () -> ()
      %rem3A_104 = arith.constant 2 : i32
      %rem3A_105 = arith.remui %scan3A_67#3, %rem3A_104 : i32
      %mul3A_106 = arith.constant 128 : i32
      %mul3A_107 = arith.muli %mul3A_106, %add3A_76 : i32
      %dma_wait3A = arith.constant 0 : i32
      %dma_wait3A_108 = arith.constant 0 : i32
      %dma_wait3A_109 = tpu.memref_slice %run_scoped3A_8[%rem3A_105, %dma_wait3A, %dma_wait3A_108] : memref<2x128x256xf32, #tpu.memory_space<vmem>> -> memref<1x128x256xf32, #tpu.memory_space<vmem>>
      %dma_wait3A_110 = tpu.memref_squeeze %dma_wait3A_109 : memref<1x128x256xf32, #tpu.memory_space<vmem>> -> memref<128x256xf32, #tpu.memory_space<vmem>>
      %dma_wait3A_111 = arith.constant 0 : i32
      %dma_wait3A_112 = tpu.memref_slice %arg4[%mul3A_107, %dma_wait3A_111] : memref<8192x256xf32, #tpu.memory_space<hbm>> -> memref<128x256xf32, #tpu.memory_space<hbm>>
      %dma_wait3A_113 = tpu.memref_slice %run_scoped3A_9[%rem3A_105] : memref<2x!tpu.dma_semaphore, #tpu.memory_space<semaphore_mem>> -> memref<1x!tpu.dma_semaphore, #tpu.memory_space<semaphore_mem>>
      %dma_wait3A_114 = tpu.memref_squeeze %dma_wait3A_113 : memref<1x!tpu.dma_semaphore, #tpu.memory_space<semaphore_mem>> -> memref<!tpu.dma_semaphore, #tpu.memory_space<semaphore_mem>>
      %dma_wait3A_115 = arith.constant 0 : i32
      %dma_wait3A_116 = tpu.memref_slice %arg4[%mul3A_107, %dma_wait3A_115] : memref<8192x256xf32, #tpu.memory_space<hbm>> -> memref<128x256xf32, #tpu.memory_space<hbm>>
      %dma_wait3A_117 = arith.constant 0 : i32
      %dma_wait3A_118 = arith.constant 0 : i32
      %dma_wait3A_119 = tpu.memref_slice %run_scoped3A_8[%rem3A_105, %dma_wait3A_117, %dma_wait3A_118] : memref<2x128x256xf32, #tpu.memory_space<vmem>> -> memref<1x128x256xf32, #tpu.memory_space<vmem>>
      %dma_wait3A_120 = tpu.memref_squeeze %dma_wait3A_119 : memref<1x128x256xf32, #tpu.memory_space<vmem>> -> memref<128x256xf32, #tpu.memory_space<vmem>>
      tpu.wait_dma2 semaphore(%dma_wait3A_114 : memref<!tpu.dma_semaphore, #tpu.memory_space<semaphore_mem>>) src(%dma_wait3A_120 : memref<128x256xf32, #tpu.memory_space<vmem>>) dst(%dma_wait3A_116 : memref<128x256xf32, #tpu.memory_space<hbm>>)
      "tpu.trace_stop"() : () -> ()
      tpu.yield
    }) : () -> ()
    return
  }
}

module attributes {stable_mosaic.version = 14 : i64} {
  func.func @_argmax_body(%arg0: i32, %arg1: i32, %arg2: memref<1xi32, #tpu.memory_space<smem>>, %arg3: memref<1x256x8192xf32, #tpu.memory_space<vmem>>, %arg4: memref<1x8192xi32, #tpu.memory_space<vmem>>, %arg5: memref<1x8192xi32, #tpu.memory_space<vmem>>) attributes {dimension_semantics = [#tpu.dimension_semantics<arbitrary>, #tpu.dimension_semantics<arbitrary>], iteration_bounds = array<i64: 8, 4>, scalar_prefetch = 0 : i64, scratch_operands = 0 : i64, tpu.core_type = #tpu.core_type<tc>, window_params = [{transform_indices = @transform_0, window_bounds = array<i64: 1>}, {transform_indices = @transform_1, window_bounds = array<i64: 1, 256, 8192>}, {pipeline_mode = #tpu.pipeline_mode<synchronous>, transform_indices = @transform_2, window_bounds = array<i64: 1, 8192>}, {pipeline_mode = #tpu.pipeline_mode<synchronous>, transform_indices = @transform_3, window_bounds = array<i64: 1, 8192>}]} {
    %get3A = arith.constant 0 : index
    %get3A_0 = arith.constant 0 : index
    %get3A_1 = arith.constant 0 : index
    %get3A_2 = vector.load %arg3[%get3A, %get3A_0, %get3A_1] : memref<1x256x8192xf32, #tpu.memory_space<vmem>>, vector<1x256x128xf32>
    %get3A_3 = vector.shape_cast %get3A_2 : vector<1x256x128xf32> to vector<256x128xf32>
    %broadcast_in_dim3A = arith.constant 0 : i32
    %broadcast_in_dim3A_4 = vector.broadcast %broadcast_in_dim3A : i32 to vector<256x128xi32>
    %get3A_5 = arith.constant 0 : index
    %get3A_6 = arith.constant 0 : index
    %get3A_7 = arith.constant 128 : index
    %get3A_8 = vector.load %arg3[%get3A_5, %get3A_6, %get3A_7] : memref<1x256x8192xf32, #tpu.memory_space<vmem>>, vector<1x256x128xf32>
    %get3A_9 = vector.shape_cast %get3A_8 : vector<1x256x128xf32> to vector<256x128xf32>
    %gt3A = arith.cmpf ogt, %get3A_9, %get3A_3 : vector<256x128xf32>
    %select_n3A = arith.select %gt3A, %get3A_9, %get3A_3 : vector<256x128xi1>, vector<256x128xf32>
    %jit3A = arith.constant 1 : i32
    %broadcast_in_dim3A_10 = vector.broadcast %jit3A : i32 to vector<256x128xi32>
    %select_n3A_11 = arith.select %gt3A, %broadcast_in_dim3A_10, %broadcast_in_dim3A_4 : vector<256x128xi1>, vector<256x128xi32>
    %get3A_12 = arith.constant 0 : index
    %get3A_13 = arith.constant 0 : index
    %get3A_14 = arith.constant 256 : index
    %get3A_15 = vector.load %arg3[%get3A_12, %get3A_13, %get3A_14] : memref<1x256x8192xf32, #tpu.memory_space<vmem>>, vector<1x256x128xf32>
    %get3A_16 = vector.shape_cast %get3A_15 : vector<1x256x128xf32> to vector<256x128xf32>
    %gt3A_17 = arith.cmpf ogt, %get3A_16, %select_n3A : vector<256x128xf32>
    %select_n3A_18 = arith.select %gt3A_17, %get3A_16, %select_n3A : vector<256x128xi1>, vector<256x128xf32>
    %jit3A_19 = arith.constant 2 : i32
    %broadcast_in_dim3A_20 = vector.broadcast %jit3A_19 : i32 to vector<256x128xi32>
    %select_n3A_21 = arith.select %gt3A_17, %broadcast_in_dim3A_20, %select_n3A_11 : vector<256x128xi1>, vector<256x128xi32>
    %get3A_22 = arith.constant 0 : index
    %get3A_23 = arith.constant 0 : index
    %get3A_24 = arith.constant 384 : index
    %get3A_25 = vector.load %arg3[%get3A_22, %get3A_23, %get3A_24] : memref<1x256x8192xf32, #tpu.memory_space<vmem>>, vector<1x256x128xf32>
    %get3A_26 = vector.shape_cast %get3A_25 : vector<1x256x128xf32> to vector<256x128xf32>
    %gt3A_27 = arith.cmpf ogt, %get3A_26, %select_n3A_18 : vector<256x128xf32>
    %select_n3A_28 = arith.select %gt3A_27, %get3A_26, %select_n3A_18 : vector<256x128xi1>, vector<256x128xf32>
    %jit3A_29 = arith.constant 3 : i32
    %broadcast_in_dim3A_30 = vector.broadcast %jit3A_29 : i32 to vector<256x128xi32>
    %select_n3A_31 = arith.select %gt3A_27, %broadcast_in_dim3A_30, %select_n3A_21 : vector<256x128xi1>, vector<256x128xi32>
    %get3A_32 = arith.constant 0 : index
    %get3A_33 = arith.constant 0 : index
    %get3A_34 = arith.constant 512 : index
    %get3A_35 = vector.load %arg3[%get3A_32, %get3A_33, %get3A_34] : memref<1x256x8192xf32, #tpu.memory_space<vmem>>, vector<1x256x128xf32>
    %get3A_36 = vector.shape_cast %get3A_35 : vector<1x256x128xf32> to vector<256x128xf32>
    %gt3A_37 = arith.cmpf ogt, %get3A_36, %select_n3A_28 : vector<256x128xf32>
    %select_n3A_38 = arith.select %gt3A_37, %get3A_36, %select_n3A_28 : vector<256x128xi1>, vector<256x128xf32>
    %jit3A_39 = arith.constant 4 : i32
    %broadcast_in_dim3A_40 = vector.broadcast %jit3A_39 : i32 to vector<256x128xi32>
    %select_n3A_41 = arith.select %gt3A_37, %broadcast_in_dim3A_40, %select_n3A_31 : vector<256x128xi1>, vector<256x128xi32>
    %get3A_42 = arith.constant 0 : index
    %get3A_43 = arith.constant 0 : index
    %get3A_44 = arith.constant 640 : index
    %get3A_45 = vector.load %arg3[%get3A_42, %get3A_43, %get3A_44] : memref<1x256x8192xf32, #tpu.memory_space<vmem>>, vector<1x256x128xf32>
    %get3A_46 = vector.shape_cast %get3A_45 : vector<1x256x128xf32> to vector<256x128xf32>
    %gt3A_47 = arith.cmpf ogt, %get3A_46, %select_n3A_38 : vector<256x128xf32>
    %select_n3A_48 = arith.select %gt3A_47, %get3A_46, %select_n3A_38 : vector<256x128xi1>, vector<256x128xf32>
    %jit3A_49 = arith.constant 5 : i32
    %broadcast_in_dim3A_50 = vector.broadcast %jit3A_49 : i32 to vector<256x128xi32>
    %select_n3A_51 = arith.select %gt3A_47, %broadcast_in_dim3A_50, %select_n3A_41 : vector<256x128xi1>, vector<256x128xi32>
    %get3A_52 = arith.constant 0 : index
    %get3A_53 = arith.constant 0 : index
    %get3A_54 = arith.constant 768 : index
    %get3A_55 = vector.load %arg3[%get3A_52, %get3A_53, %get3A_54] : memref<1x256x8192xf32, #tpu.memory_space<vmem>>, vector<1x256x128xf32>
    %get3A_56 = vector.shape_cast %get3A_55 : vector<1x256x128xf32> to vector<256x128xf32>
    %gt3A_57 = arith.cmpf ogt, %get3A_56, %select_n3A_48 : vector<256x128xf32>
    %select_n3A_58 = arith.select %gt3A_57, %get3A_56, %select_n3A_48 : vector<256x128xi1>, vector<256x128xf32>
    %jit3A_59 = arith.constant 6 : i32
    %broadcast_in_dim3A_60 = vector.broadcast %jit3A_59 : i32 to vector<256x128xi32>
    %select_n3A_61 = arith.select %gt3A_57, %broadcast_in_dim3A_60, %select_n3A_51 : vector<256x128xi1>, vector<256x128xi32>
    %get3A_62 = arith.constant 0 : index
    %get3A_63 = arith.constant 0 : index
    %get3A_64 = arith.constant 896 : index
    %get3A_65 = vector.load %arg3[%get3A_62, %get3A_63, %get3A_64] : memref<1x256x8192xf32, #tpu.memory_space<vmem>>, vector<1x256x128xf32>
    %get3A_66 = vector.shape_cast %get3A_65 : vector<1x256x128xf32> to vector<256x128xf32>
    %gt3A_67 = arith.cmpf ogt, %get3A_66, %select_n3A_58 : vector<256x128xf32>
    %select_n3A_68 = arith.select %gt3A_67, %get3A_66, %select_n3A_58 : vector<256x128xi1>, vector<256x128xf32>
    %jit3A_69 = arith.constant 7 : i32
    %broadcast_in_dim3A_70 = vector.broadcast %jit3A_69 : i32 to vector<256x128xi32>
    %select_n3A_71 = arith.select %gt3A_67, %broadcast_in_dim3A_70, %select_n3A_61 : vector<256x128xi1>, vector<256x128xi32>
    %get3A_72 = arith.constant 0 : index
    %get3A_73 = arith.constant 0 : index
    %get3A_74 = arith.constant 1024 : index
    %get3A_75 = vector.load %arg3[%get3A_72, %get3A_73, %get3A_74] : memref<1x256x8192xf32, #tpu.memory_space<vmem>>, vector<1x256x128xf32>
    %get3A_76 = vector.shape_cast %get3A_75 : vector<1x256x128xf32> to vector<256x128xf32>
    %gt3A_77 = arith.cmpf ogt, %get3A_76, %select_n3A_68 : vector<256x128xf32>
    %select_n3A_78 = arith.select %gt3A_77, %get3A_76, %select_n3A_68 : vector<256x128xi1>, vector<256x128xf32>
    %jit3A_79 = arith.constant 8 : i32
    %broadcast_in_dim3A_80 = vector.broadcast %jit3A_79 : i32 to vector<256x128xi32>
    %select_n3A_81 = arith.select %gt3A_77, %broadcast_in_dim3A_80, %select_n3A_71 : vector<256x128xi1>, vector<256x128xi32>
    %get3A_82 = arith.constant 0 : index
    %get3A_83 = arith.constant 0 : index
    %get3A_84 = arith.constant 1152 : index
    %get3A_85 = vector.load %arg3[%get3A_82, %get3A_83, %get3A_84] : memref<1x256x8192xf32, #tpu.memory_space<vmem>>, vector<1x256x128xf32>
    %get3A_86 = vector.shape_cast %get3A_85 : vector<1x256x128xf32> to vector<256x128xf32>
    %gt3A_87 = arith.cmpf ogt, %get3A_86, %select_n3A_78 : vector<256x128xf32>
    %select_n3A_88 = arith.select %gt3A_87, %get3A_86, %select_n3A_78 : vector<256x128xi1>, vector<256x128xf32>
    %jit3A_89 = arith.constant 9 : i32
    %broadcast_in_dim3A_90 = vector.broadcast %jit3A_89 : i32 to vector<256x128xi32>
    %select_n3A_91 = arith.select %gt3A_87, %broadcast_in_dim3A_90, %select_n3A_81 : vector<256x128xi1>, vector<256x128xi32>
    %get3A_92 = arith.constant 0 : index
    %get3A_93 = arith.constant 0 : index
    %get3A_94 = arith.constant 1280 : index
    %get3A_95 = vector.load %arg3[%get3A_92, %get3A_93, %get3A_94] : memref<1x256x8192xf32, #tpu.memory_space<vmem>>, vector<1x256x128xf32>
    %get3A_96 = vector.shape_cast %get3A_95 : vector<1x256x128xf32> to vector<256x128xf32>
    %gt3A_97 = arith.cmpf ogt, %get3A_96, %select_n3A_88 : vector<256x128xf32>
    %select_n3A_98 = arith.select %gt3A_97, %get3A_96, %select_n3A_88 : vector<256x128xi1>, vector<256x128xf32>
    %jit3A_99 = arith.constant 10 : i32
    %broadcast_in_dim3A_100 = vector.broadcast %jit3A_99 : i32 to vector<256x128xi32>
    %select_n3A_101 = arith.select %gt3A_97, %broadcast_in_dim3A_100, %select_n3A_91 : vector<256x128xi1>, vector<256x128xi32>
    %get3A_102 = arith.constant 0 : index
    %get3A_103 = arith.constant 0 : index
    %get3A_104 = arith.constant 1408 : index
    %get3A_105 = vector.load %arg3[%get3A_102, %get3A_103, %get3A_104] : memref<1x256x8192xf32, #tpu.memory_space<vmem>>, vector<1x256x128xf32>
    %get3A_106 = vector.shape_cast %get3A_105 : vector<1x256x128xf32> to vector<256x128xf32>
    %gt3A_107 = arith.cmpf ogt, %get3A_106, %select_n3A_98 : vector<256x128xf32>
    %select_n3A_108 = arith.select %gt3A_107, %get3A_106, %select_n3A_98 : vector<256x128xi1>, vector<256x128xf32>
    %jit3A_109 = arith.constant 11 : i32
    %broadcast_in_dim3A_110 = vector.broadcast %jit3A_109 : i32 to vector<256x128xi32>
    %select_n3A_111 = arith.select %gt3A_107, %broadcast_in_dim3A_110, %select_n3A_101 : vector<256x128xi1>, vector<256x128xi32>
    %get3A_112 = arith.constant 0 : index
    %get3A_113 = arith.constant 0 : index
    %get3A_114 = arith.constant 1536 : index
    %get3A_115 = vector.load %arg3[%get3A_112, %get3A_113, %get3A_114] : memref<1x256x8192xf32, #tpu.memory_space<vmem>>, vector<1x256x128xf32>
    %get3A_116 = vector.shape_cast %get3A_115 : vector<1x256x128xf32> to vector<256x128xf32>
    %gt3A_117 = arith.cmpf ogt, %get3A_116, %select_n3A_108 : vector<256x128xf32>
    %select_n3A_118 = arith.select %gt3A_117, %get3A_116, %select_n3A_108 : vector<256x128xi1>, vector<256x128xf32>
    %jit3A_119 = arith.constant 12 : i32
    %broadcast_in_dim3A_120 = vector.broadcast %jit3A_119 : i32 to vector<256x128xi32>
    %select_n3A_121 = arith.select %gt3A_117, %broadcast_in_dim3A_120, %select_n3A_111 : vector<256x128xi1>, vector<256x128xi32>
    %get3A_122 = arith.constant 0 : index
    %get3A_123 = arith.constant 0 : index
    %get3A_124 = arith.constant 1664 : index
    %get3A_125 = vector.load %arg3[%get3A_122, %get3A_123, %get3A_124] : memref<1x256x8192xf32, #tpu.memory_space<vmem>>, vector<1x256x128xf32>
    %get3A_126 = vector.shape_cast %get3A_125 : vector<1x256x128xf32> to vector<256x128xf32>
    %gt3A_127 = arith.cmpf ogt, %get3A_126, %select_n3A_118 : vector<256x128xf32>
    %select_n3A_128 = arith.select %gt3A_127, %get3A_126, %select_n3A_118 : vector<256x128xi1>, vector<256x128xf32>
    %jit3A_129 = arith.constant 13 : i32
    %broadcast_in_dim3A_130 = vector.broadcast %jit3A_129 : i32 to vector<256x128xi32>
    %select_n3A_131 = arith.select %gt3A_127, %broadcast_in_dim3A_130, %select_n3A_121 : vector<256x128xi1>, vector<256x128xi32>
    %get3A_132 = arith.constant 0 : index
    %get3A_133 = arith.constant 0 : index
    %get3A_134 = arith.constant 1792 : index
    %get3A_135 = vector.load %arg3[%get3A_132, %get3A_133, %get3A_134] : memref<1x256x8192xf32, #tpu.memory_space<vmem>>, vector<1x256x128xf32>
    %get3A_136 = vector.shape_cast %get3A_135 : vector<1x256x128xf32> to vector<256x128xf32>
    %gt3A_137 = arith.cmpf ogt, %get3A_136, %select_n3A_128 : vector<256x128xf32>
    %select_n3A_138 = arith.select %gt3A_137, %get3A_136, %select_n3A_128 : vector<256x128xi1>, vector<256x128xf32>
    %jit3A_139 = arith.constant 14 : i32
    %broadcast_in_dim3A_140 = vector.broadcast %jit3A_139 : i32 to vector<256x128xi32>
    %select_n3A_141 = arith.select %gt3A_137, %broadcast_in_dim3A_140, %select_n3A_131 : vector<256x128xi1>, vector<256x128xi32>
    %get3A_142 = arith.constant 0 : index
    %get3A_143 = arith.constant 0 : index
    %get3A_144 = arith.constant 1920 : index
    %get3A_145 = vector.load %arg3[%get3A_142, %get3A_143, %get3A_144] : memref<1x256x8192xf32, #tpu.memory_space<vmem>>, vector<1x256x128xf32>
    %get3A_146 = vector.shape_cast %get3A_145 : vector<1x256x128xf32> to vector<256x128xf32>
    %gt3A_147 = arith.cmpf ogt, %get3A_146, %select_n3A_138 : vector<256x128xf32>
    %select_n3A_148 = arith.select %gt3A_147, %get3A_146, %select_n3A_138 : vector<256x128xi1>, vector<256x128xf32>
    %jit3A_149 = arith.constant 15 : i32
    %broadcast_in_dim3A_150 = vector.broadcast %jit3A_149 : i32 to vector<256x128xi32>
    %select_n3A_151 = arith.select %gt3A_147, %broadcast_in_dim3A_150, %select_n3A_141 : vector<256x128xi1>, vector<256x128xi32>
    %get3A_152 = arith.constant 0 : index
    %get3A_153 = arith.constant 0 : index
    %get3A_154 = arith.constant 2048 : index
    %get3A_155 = vector.load %arg3[%get3A_152, %get3A_153, %get3A_154] : memref<1x256x8192xf32, #tpu.memory_space<vmem>>, vector<1x256x128xf32>
    %get3A_156 = vector.shape_cast %get3A_155 : vector<1x256x128xf32> to vector<256x128xf32>
    %gt3A_157 = arith.cmpf ogt, %get3A_156, %select_n3A_148 : vector<256x128xf32>
    %select_n3A_158 = arith.select %gt3A_157, %get3A_156, %select_n3A_148 : vector<256x128xi1>, vector<256x128xf32>
    %jit3A_159 = arith.constant 16 : i32
    %broadcast_in_dim3A_160 = vector.broadcast %jit3A_159 : i32 to vector<256x128xi32>
    %select_n3A_161 = arith.select %gt3A_157, %broadcast_in_dim3A_160, %select_n3A_151 : vector<256x128xi1>, vector<256x128xi32>
    %get3A_162 = arith.constant 0 : index
    %get3A_163 = arith.constant 0 : index
    %get3A_164 = arith.constant 2176 : index
    %get3A_165 = vector.load %arg3[%get3A_162, %get3A_163, %get3A_164] : memref<1x256x8192xf32, #tpu.memory_space<vmem>>, vector<1x256x128xf32>
    %get3A_166 = vector.shape_cast %get3A_165 : vector<1x256x128xf32> to vector<256x128xf32>
    %gt3A_167 = arith.cmpf ogt, %get3A_166, %select_n3A_158 : vector<256x128xf32>
    %select_n3A_168 = arith.select %gt3A_167, %get3A_166, %select_n3A_158 : vector<256x128xi1>, vector<256x128xf32>
    %jit3A_169 = arith.constant 17 : i32
    %broadcast_in_dim3A_170 = vector.broadcast %jit3A_169 : i32 to vector<256x128xi32>
    %select_n3A_171 = arith.select %gt3A_167, %broadcast_in_dim3A_170, %select_n3A_161 : vector<256x128xi1>, vector<256x128xi32>
    %get3A_172 = arith.constant 0 : index
    %get3A_173 = arith.constant 0 : index
    %get3A_174 = arith.constant 2304 : index
    %get3A_175 = vector.load %arg3[%get3A_172, %get3A_173, %get3A_174] : memref<1x256x8192xf32, #tpu.memory_space<vmem>>, vector<1x256x128xf32>
    %get3A_176 = vector.shape_cast %get3A_175 : vector<1x256x128xf32> to vector<256x128xf32>
    %gt3A_177 = arith.cmpf ogt, %get3A_176, %select_n3A_168 : vector<256x128xf32>
    %select_n3A_178 = arith.select %gt3A_177, %get3A_176, %select_n3A_168 : vector<256x128xi1>, vector<256x128xf32>
    %jit3A_179 = arith.constant 18 : i32
    %broadcast_in_dim3A_180 = vector.broadcast %jit3A_179 : i32 to vector<256x128xi32>
    %select_n3A_181 = arith.select %gt3A_177, %broadcast_in_dim3A_180, %select_n3A_171 : vector<256x128xi1>, vector<256x128xi32>
    %get3A_182 = arith.constant 0 : index
    %get3A_183 = arith.constant 0 : index
    %get3A_184 = arith.constant 2432 : index
    %get3A_185 = vector.load %arg3[%get3A_182, %get3A_183, %get3A_184] : memref<1x256x8192xf32, #tpu.memory_space<vmem>>, vector<1x256x128xf32>
    %get3A_186 = vector.shape_cast %get3A_185 : vector<1x256x128xf32> to vector<256x128xf32>
    %gt3A_187 = arith.cmpf ogt, %get3A_186, %select_n3A_178 : vector<256x128xf32>
    %select_n3A_188 = arith.select %gt3A_187, %get3A_186, %select_n3A_178 : vector<256x128xi1>, vector<256x128xf32>
    %jit3A_189 = arith.constant 19 : i32
    %broadcast_in_dim3A_190 = vector.broadcast %jit3A_189 : i32 to vector<256x128xi32>
    %select_n3A_191 = arith.select %gt3A_187, %broadcast_in_dim3A_190, %select_n3A_181 : vector<256x128xi1>, vector<256x128xi32>
    %get3A_192 = arith.constant 0 : index
    %get3A_193 = arith.constant 0 : index
    %get3A_194 = arith.constant 2560 : index
    %get3A_195 = vector.load %arg3[%get3A_192, %get3A_193, %get3A_194] : memref<1x256x8192xf32, #tpu.memory_space<vmem>>, vector<1x256x128xf32>
    %get3A_196 = vector.shape_cast %get3A_195 : vector<1x256x128xf32> to vector<256x128xf32>
    %gt3A_197 = arith.cmpf ogt, %get3A_196, %select_n3A_188 : vector<256x128xf32>
    %select_n3A_198 = arith.select %gt3A_197, %get3A_196, %select_n3A_188 : vector<256x128xi1>, vector<256x128xf32>
    %jit3A_199 = arith.constant 20 : i32
    %broadcast_in_dim3A_200 = vector.broadcast %jit3A_199 : i32 to vector<256x128xi32>
    %select_n3A_201 = arith.select %gt3A_197, %broadcast_in_dim3A_200, %select_n3A_191 : vector<256x128xi1>, vector<256x128xi32>
    %get3A_202 = arith.constant 0 : index
    %get3A_203 = arith.constant 0 : index
    %get3A_204 = arith.constant 2688 : index
    %get3A_205 = vector.load %arg3[%get3A_202, %get3A_203, %get3A_204] : memref<1x256x8192xf32, #tpu.memory_space<vmem>>, vector<1x256x128xf32>
    %get3A_206 = vector.shape_cast %get3A_205 : vector<1x256x128xf32> to vector<256x128xf32>
    %gt3A_207 = arith.cmpf ogt, %get3A_206, %select_n3A_198 : vector<256x128xf32>
    %select_n3A_208 = arith.select %gt3A_207, %get3A_206, %select_n3A_198 : vector<256x128xi1>, vector<256x128xf32>
    %jit3A_209 = arith.constant 21 : i32
    %broadcast_in_dim3A_210 = vector.broadcast %jit3A_209 : i32 to vector<256x128xi32>
    %select_n3A_211 = arith.select %gt3A_207, %broadcast_in_dim3A_210, %select_n3A_201 : vector<256x128xi1>, vector<256x128xi32>
    %get3A_212 = arith.constant 0 : index
    %get3A_213 = arith.constant 0 : index
    %get3A_214 = arith.constant 2816 : index
    %get3A_215 = vector.load %arg3[%get3A_212, %get3A_213, %get3A_214] : memref<1x256x8192xf32, #tpu.memory_space<vmem>>, vector<1x256x128xf32>
    %get3A_216 = vector.shape_cast %get3A_215 : vector<1x256x128xf32> to vector<256x128xf32>
    %gt3A_217 = arith.cmpf ogt, %get3A_216, %select_n3A_208 : vector<256x128xf32>
    %select_n3A_218 = arith.select %gt3A_217, %get3A_216, %select_n3A_208 : vector<256x128xi1>, vector<256x128xf32>
    %jit3A_219 = arith.constant 22 : i32
    %broadcast_in_dim3A_220 = vector.broadcast %jit3A_219 : i32 to vector<256x128xi32>
    %select_n3A_221 = arith.select %gt3A_217, %broadcast_in_dim3A_220, %select_n3A_211 : vector<256x128xi1>, vector<256x128xi32>
    %get3A_222 = arith.constant 0 : index
    %get3A_223 = arith.constant 0 : index
    %get3A_224 = arith.constant 2944 : index
    %get3A_225 = vector.load %arg3[%get3A_222, %get3A_223, %get3A_224] : memref<1x256x8192xf32, #tpu.memory_space<vmem>>, vector<1x256x128xf32>
    %get3A_226 = vector.shape_cast %get3A_225 : vector<1x256x128xf32> to vector<256x128xf32>
    %gt3A_227 = arith.cmpf ogt, %get3A_226, %select_n3A_218 : vector<256x128xf32>
    %select_n3A_228 = arith.select %gt3A_227, %get3A_226, %select_n3A_218 : vector<256x128xi1>, vector<256x128xf32>
    %jit3A_229 = arith.constant 23 : i32
    %broadcast_in_dim3A_230 = vector.broadcast %jit3A_229 : i32 to vector<256x128xi32>
    %select_n3A_231 = arith.select %gt3A_227, %broadcast_in_dim3A_230, %select_n3A_221 : vector<256x128xi1>, vector<256x128xi32>
    %get3A_232 = arith.constant 0 : index
    %get3A_233 = arith.constant 0 : index
    %get3A_234 = arith.constant 3072 : index
    %get3A_235 = vector.load %arg3[%get3A_232, %get3A_233, %get3A_234] : memref<1x256x8192xf32, #tpu.memory_space<vmem>>, vector<1x256x128xf32>
    %get3A_236 = vector.shape_cast %get3A_235 : vector<1x256x128xf32> to vector<256x128xf32>
    %gt3A_237 = arith.cmpf ogt, %get3A_236, %select_n3A_228 : vector<256x128xf32>
    %select_n3A_238 = arith.select %gt3A_237, %get3A_236, %select_n3A_228 : vector<256x128xi1>, vector<256x128xf32>
    %jit3A_239 = arith.constant 24 : i32
    %broadcast_in_dim3A_240 = vector.broadcast %jit3A_239 : i32 to vector<256x128xi32>
    %select_n3A_241 = arith.select %gt3A_237, %broadcast_in_dim3A_240, %select_n3A_231 : vector<256x128xi1>, vector<256x128xi32>
    %get3A_242 = arith.constant 0 : index
    %get3A_243 = arith.constant 0 : index
    %get3A_244 = arith.constant 3200 : index
    %get3A_245 = vector.load %arg3[%get3A_242, %get3A_243, %get3A_244] : memref<1x256x8192xf32, #tpu.memory_space<vmem>>, vector<1x256x128xf32>
    %get3A_246 = vector.shape_cast %get3A_245 : vector<1x256x128xf32> to vector<256x128xf32>
    %gt3A_247 = arith.cmpf ogt, %get3A_246, %select_n3A_238 : vector<256x128xf32>
    %select_n3A_248 = arith.select %gt3A_247, %get3A_246, %select_n3A_238 : vector<256x128xi1>, vector<256x128xf32>
    %jit3A_249 = arith.constant 25 : i32
    %broadcast_in_dim3A_250 = vector.broadcast %jit3A_249 : i32 to vector<256x128xi32>
    %select_n3A_251 = arith.select %gt3A_247, %broadcast_in_dim3A_250, %select_n3A_241 : vector<256x128xi1>, vector<256x128xi32>
    %get3A_252 = arith.constant 0 : index
    %get3A_253 = arith.constant 0 : index
    %get3A_254 = arith.constant 3328 : index
    %get3A_255 = vector.load %arg3[%get3A_252, %get3A_253, %get3A_254] : memref<1x256x8192xf32, #tpu.memory_space<vmem>>, vector<1x256x128xf32>
    %get3A_256 = vector.shape_cast %get3A_255 : vector<1x256x128xf32> to vector<256x128xf32>
    %gt3A_257 = arith.cmpf ogt, %get3A_256, %select_n3A_248 : vector<256x128xf32>
    %select_n3A_258 = arith.select %gt3A_257, %get3A_256, %select_n3A_248 : vector<256x128xi1>, vector<256x128xf32>
    %jit3A_259 = arith.constant 26 : i32
    %broadcast_in_dim3A_260 = vector.broadcast %jit3A_259 : i32 to vector<256x128xi32>
    %select_n3A_261 = arith.select %gt3A_257, %broadcast_in_dim3A_260, %select_n3A_251 : vector<256x128xi1>, vector<256x128xi32>
    %get3A_262 = arith.constant 0 : index
    %get3A_263 = arith.constant 0 : index
    %get3A_264 = arith.constant 3456 : index
    %get3A_265 = vector.load %arg3[%get3A_262, %get3A_263, %get3A_264] : memref<1x256x8192xf32, #tpu.memory_space<vmem>>, vector<1x256x128xf32>
    %get3A_266 = vector.shape_cast %get3A_265 : vector<1x256x128xf32> to vector<256x128xf32>
    %gt3A_267 = arith.cmpf ogt, %get3A_266, %select_n3A_258 : vector<256x128xf32>
    %select_n3A_268 = arith.select %gt3A_267, %get3A_266, %select_n3A_258 : vector<256x128xi1>, vector<256x128xf32>
    %jit3A_269 = arith.constant 27 : i32
    %broadcast_in_dim3A_270 = vector.broadcast %jit3A_269 : i32 to vector<256x128xi32>
    %select_n3A_271 = arith.select %gt3A_267, %broadcast_in_dim3A_270, %select_n3A_261 : vector<256x128xi1>, vector<256x128xi32>
    %get3A_272 = arith.constant 0 : index
    %get3A_273 = arith.constant 0 : index
    %get3A_274 = arith.constant 3584 : index
    %get3A_275 = vector.load %arg3[%get3A_272, %get3A_273, %get3A_274] : memref<1x256x8192xf32, #tpu.memory_space<vmem>>, vector<1x256x128xf32>
    %get3A_276 = vector.shape_cast %get3A_275 : vector<1x256x128xf32> to vector<256x128xf32>
    %gt3A_277 = arith.cmpf ogt, %get3A_276, %select_n3A_268 : vector<256x128xf32>
    %select_n3A_278 = arith.select %gt3A_277, %get3A_276, %select_n3A_268 : vector<256x128xi1>, vector<256x128xf32>
    %jit3A_279 = arith.constant 28 : i32
    %broadcast_in_dim3A_280 = vector.broadcast %jit3A_279 : i32 to vector<256x128xi32>
    %select_n3A_281 = arith.select %gt3A_277, %broadcast_in_dim3A_280, %select_n3A_271 : vector<256x128xi1>, vector<256x128xi32>
    %get3A_282 = arith.constant 0 : index
    %get3A_283 = arith.constant 0 : index
    %get3A_284 = arith.constant 3712 : index
    %get3A_285 = vector.load %arg3[%get3A_282, %get3A_283, %get3A_284] : memref<1x256x8192xf32, #tpu.memory_space<vmem>>, vector<1x256x128xf32>
    %get3A_286 = vector.shape_cast %get3A_285 : vector<1x256x128xf32> to vector<256x128xf32>
    %gt3A_287 = arith.cmpf ogt, %get3A_286, %select_n3A_278 : vector<256x128xf32>
    %select_n3A_288 = arith.select %gt3A_287, %get3A_286, %select_n3A_278 : vector<256x128xi1>, vector<256x128xf32>
    %jit3A_289 = arith.constant 29 : i32
    %broadcast_in_dim3A_290 = vector.broadcast %jit3A_289 : i32 to vector<256x128xi32>
    %select_n3A_291 = arith.select %gt3A_287, %broadcast_in_dim3A_290, %select_n3A_281 : vector<256x128xi1>, vector<256x128xi32>
    %get3A_292 = arith.constant 0 : index
    %get3A_293 = arith.constant 0 : index
    %get3A_294 = arith.constant 3840 : index
    %get3A_295 = vector.load %arg3[%get3A_292, %get3A_293, %get3A_294] : memref<1x256x8192xf32, #tpu.memory_space<vmem>>, vector<1x256x128xf32>
    %get3A_296 = vector.shape_cast %get3A_295 : vector<1x256x128xf32> to vector<256x128xf32>
    %gt3A_297 = arith.cmpf ogt, %get3A_296, %select_n3A_288 : vector<256x128xf32>
    %select_n3A_298 = arith.select %gt3A_297, %get3A_296, %select_n3A_288 : vector<256x128xi1>, vector<256x128xf32>
    %jit3A_299 = arith.constant 30 : i32
    %broadcast_in_dim3A_300 = vector.broadcast %jit3A_299 : i32 to vector<256x128xi32>
    %select_n3A_301 = arith.select %gt3A_297, %broadcast_in_dim3A_300, %select_n3A_291 : vector<256x128xi1>, vector<256x128xi32>
    %get3A_302 = arith.constant 0 : index
    %get3A_303 = arith.constant 0 : index
    %get3A_304 = arith.constant 3968 : index
    %get3A_305 = vector.load %arg3[%get3A_302, %get3A_303, %get3A_304] : memref<1x256x8192xf32, #tpu.memory_space<vmem>>, vector<1x256x128xf32>
    %get3A_306 = vector.shape_cast %get3A_305 : vector<1x256x128xf32> to vector<256x128xf32>
    %gt3A_307 = arith.cmpf ogt, %get3A_306, %select_n3A_298 : vector<256x128xf32>
    %select_n3A_308 = arith.select %gt3A_307, %get3A_306, %select_n3A_298 : vector<256x128xi1>, vector<256x128xf32>
    %jit3A_309 = arith.constant 31 : i32
    %broadcast_in_dim3A_310 = vector.broadcast %jit3A_309 : i32 to vector<256x128xi32>
    %select_n3A_311 = arith.select %gt3A_307, %broadcast_in_dim3A_310, %select_n3A_301 : vector<256x128xi1>, vector<256x128xi32>
    %get3A_312 = arith.constant 0 : index
    %get3A_313 = arith.constant 0 : index
    %get3A_314 = arith.constant 4096 : index
    %get3A_315 = vector.load %arg3[%get3A_312, %get3A_313, %get3A_314] : memref<1x256x8192xf32, #tpu.memory_space<vmem>>, vector<1x256x128xf32>
    %get3A_316 = vector.shape_cast %get3A_315 : vector<1x256x128xf32> to vector<256x128xf32>
    %gt3A_317 = arith.cmpf ogt, %get3A_316, %select_n3A_308 : vector<256x128xf32>
    %select_n3A_318 = arith.select %gt3A_317, %get3A_316, %select_n3A_308 : vector<256x128xi1>, vector<256x128xf32>
    %jit3A_319 = arith.constant 32 : i32
    %broadcast_in_dim3A_320 = vector.broadcast %jit3A_319 : i32 to vector<256x128xi32>
    %select_n3A_321 = arith.select %gt3A_317, %broadcast_in_dim3A_320, %select_n3A_311 : vector<256x128xi1>, vector<256x128xi32>
    %get3A_322 = arith.constant 0 : index
    %get3A_323 = arith.constant 0 : index
    %get3A_324 = arith.constant 4224 : index
    %get3A_325 = vector.load %arg3[%get3A_322, %get3A_323, %get3A_324] : memref<1x256x8192xf32, #tpu.memory_space<vmem>>, vector<1x256x128xf32>
    %get3A_326 = vector.shape_cast %get3A_325 : vector<1x256x128xf32> to vector<256x128xf32>
    %gt3A_327 = arith.cmpf ogt, %get3A_326, %select_n3A_318 : vector<256x128xf32>
    %select_n3A_328 = arith.select %gt3A_327, %get3A_326, %select_n3A_318 : vector<256x128xi1>, vector<256x128xf32>
    %jit3A_329 = arith.constant 33 : i32
    %broadcast_in_dim3A_330 = vector.broadcast %jit3A_329 : i32 to vector<256x128xi32>
    %select_n3A_331 = arith.select %gt3A_327, %broadcast_in_dim3A_330, %select_n3A_321 : vector<256x128xi1>, vector<256x128xi32>
    %get3A_332 = arith.constant 0 : index
    %get3A_333 = arith.constant 0 : index
    %get3A_334 = arith.constant 4352 : index
    %get3A_335 = vector.load %arg3[%get3A_332, %get3A_333, %get3A_334] : memref<1x256x8192xf32, #tpu.memory_space<vmem>>, vector<1x256x128xf32>
    %get3A_336 = vector.shape_cast %get3A_335 : vector<1x256x128xf32> to vector<256x128xf32>
    %gt3A_337 = arith.cmpf ogt, %get3A_336, %select_n3A_328 : vector<256x128xf32>
    %select_n3A_338 = arith.select %gt3A_337, %get3A_336, %select_n3A_328 : vector<256x128xi1>, vector<256x128xf32>
    %jit3A_339 = arith.constant 34 : i32
    %broadcast_in_dim3A_340 = vector.broadcast %jit3A_339 : i32 to vector<256x128xi32>
    %select_n3A_341 = arith.select %gt3A_337, %broadcast_in_dim3A_340, %select_n3A_331 : vector<256x128xi1>, vector<256x128xi32>
    %get3A_342 = arith.constant 0 : index
    %get3A_343 = arith.constant 0 : index
    %get3A_344 = arith.constant 4480 : index
    %get3A_345 = vector.load %arg3[%get3A_342, %get3A_343, %get3A_344] : memref<1x256x8192xf32, #tpu.memory_space<vmem>>, vector<1x256x128xf32>
    %get3A_346 = vector.shape_cast %get3A_345 : vector<1x256x128xf32> to vector<256x128xf32>
    %gt3A_347 = arith.cmpf ogt, %get3A_346, %select_n3A_338 : vector<256x128xf32>
    %select_n3A_348 = arith.select %gt3A_347, %get3A_346, %select_n3A_338 : vector<256x128xi1>, vector<256x128xf32>
    %jit3A_349 = arith.constant 35 : i32
    %broadcast_in_dim3A_350 = vector.broadcast %jit3A_349 : i32 to vector<256x128xi32>
    %select_n3A_351 = arith.select %gt3A_347, %broadcast_in_dim3A_350, %select_n3A_341 : vector<256x128xi1>, vector<256x128xi32>
    %get3A_352 = arith.constant 0 : index
    %get3A_353 = arith.constant 0 : index
    %get3A_354 = arith.constant 4608 : index
    %get3A_355 = vector.load %arg3[%get3A_352, %get3A_353, %get3A_354] : memref<1x256x8192xf32, #tpu.memory_space<vmem>>, vector<1x256x128xf32>
    %get3A_356 = vector.shape_cast %get3A_355 : vector<1x256x128xf32> to vector<256x128xf32>
    %gt3A_357 = arith.cmpf ogt, %get3A_356, %select_n3A_348 : vector<256x128xf32>
    %select_n3A_358 = arith.select %gt3A_357, %get3A_356, %select_n3A_348 : vector<256x128xi1>, vector<256x128xf32>
    %jit3A_359 = arith.constant 36 : i32
    %broadcast_in_dim3A_360 = vector.broadcast %jit3A_359 : i32 to vector<256x128xi32>
    %select_n3A_361 = arith.select %gt3A_357, %broadcast_in_dim3A_360, %select_n3A_351 : vector<256x128xi1>, vector<256x128xi32>
    %get3A_362 = arith.constant 0 : index
    %get3A_363 = arith.constant 0 : index
    %get3A_364 = arith.constant 4736 : index
    %get3A_365 = vector.load %arg3[%get3A_362, %get3A_363, %get3A_364] : memref<1x256x8192xf32, #tpu.memory_space<vmem>>, vector<1x256x128xf32>
    %get3A_366 = vector.shape_cast %get3A_365 : vector<1x256x128xf32> to vector<256x128xf32>
    %gt3A_367 = arith.cmpf ogt, %get3A_366, %select_n3A_358 : vector<256x128xf32>
    %select_n3A_368 = arith.select %gt3A_367, %get3A_366, %select_n3A_358 : vector<256x128xi1>, vector<256x128xf32>
    %jit3A_369 = arith.constant 37 : i32
    %broadcast_in_dim3A_370 = vector.broadcast %jit3A_369 : i32 to vector<256x128xi32>
    %select_n3A_371 = arith.select %gt3A_367, %broadcast_in_dim3A_370, %select_n3A_361 : vector<256x128xi1>, vector<256x128xi32>
    %get3A_372 = arith.constant 0 : index
    %get3A_373 = arith.constant 0 : index
    %get3A_374 = arith.constant 4864 : index
    %get3A_375 = vector.load %arg3[%get3A_372, %get3A_373, %get3A_374] : memref<1x256x8192xf32, #tpu.memory_space<vmem>>, vector<1x256x128xf32>
    %get3A_376 = vector.shape_cast %get3A_375 : vector<1x256x128xf32> to vector<256x128xf32>
    %gt3A_377 = arith.cmpf ogt, %get3A_376, %select_n3A_368 : vector<256x128xf32>
    %select_n3A_378 = arith.select %gt3A_377, %get3A_376, %select_n3A_368 : vector<256x128xi1>, vector<256x128xf32>
    %jit3A_379 = arith.constant 38 : i32
    %broadcast_in_dim3A_380 = vector.broadcast %jit3A_379 : i32 to vector<256x128xi32>
    %select_n3A_381 = arith.select %gt3A_377, %broadcast_in_dim3A_380, %select_n3A_371 : vector<256x128xi1>, vector<256x128xi32>
    %get3A_382 = arith.constant 0 : index
    %get3A_383 = arith.constant 0 : index
    %get3A_384 = arith.constant 4992 : index
    %get3A_385 = vector.load %arg3[%get3A_382, %get3A_383, %get3A_384] : memref<1x256x8192xf32, #tpu.memory_space<vmem>>, vector<1x256x128xf32>
    %get3A_386 = vector.shape_cast %get3A_385 : vector<1x256x128xf32> to vector<256x128xf32>
    %gt3A_387 = arith.cmpf ogt, %get3A_386, %select_n3A_378 : vector<256x128xf32>
    %select_n3A_388 = arith.select %gt3A_387, %get3A_386, %select_n3A_378 : vector<256x128xi1>, vector<256x128xf32>
    %jit3A_389 = arith.constant 39 : i32
    %broadcast_in_dim3A_390 = vector.broadcast %jit3A_389 : i32 to vector<256x128xi32>
    %select_n3A_391 = arith.select %gt3A_387, %broadcast_in_dim3A_390, %select_n3A_381 : vector<256x128xi1>, vector<256x128xi32>
    %get3A_392 = arith.constant 0 : index
    %get3A_393 = arith.constant 0 : index
    %get3A_394 = arith.constant 5120 : index
    %get3A_395 = vector.load %arg3[%get3A_392, %get3A_393, %get3A_394] : memref<1x256x8192xf32, #tpu.memory_space<vmem>>, vector<1x256x128xf32>
    %get3A_396 = vector.shape_cast %get3A_395 : vector<1x256x128xf32> to vector<256x128xf32>
    %gt3A_397 = arith.cmpf ogt, %get3A_396, %select_n3A_388 : vector<256x128xf32>
    %select_n3A_398 = arith.select %gt3A_397, %get3A_396, %select_n3A_388 : vector<256x128xi1>, vector<256x128xf32>
    %jit3A_399 = arith.constant 40 : i32
    %broadcast_in_dim3A_400 = vector.broadcast %jit3A_399 : i32 to vector<256x128xi32>
    %select_n3A_401 = arith.select %gt3A_397, %broadcast_in_dim3A_400, %select_n3A_391 : vector<256x128xi1>, vector<256x128xi32>
    %get3A_402 = arith.constant 0 : index
    %get3A_403 = arith.constant 0 : index
    %get3A_404 = arith.constant 5248 : index
    %get3A_405 = vector.load %arg3[%get3A_402, %get3A_403, %get3A_404] : memref<1x256x8192xf32, #tpu.memory_space<vmem>>, vector<1x256x128xf32>
    %get3A_406 = vector.shape_cast %get3A_405 : vector<1x256x128xf32> to vector<256x128xf32>
    %gt3A_407 = arith.cmpf ogt, %get3A_406, %select_n3A_398 : vector<256x128xf32>
    %select_n3A_408 = arith.select %gt3A_407, %get3A_406, %select_n3A_398 : vector<256x128xi1>, vector<256x128xf32>
    %jit3A_409 = arith.constant 41 : i32
    %broadcast_in_dim3A_410 = vector.broadcast %jit3A_409 : i32 to vector<256x128xi32>
    %select_n3A_411 = arith.select %gt3A_407, %broadcast_in_dim3A_410, %select_n3A_401 : vector<256x128xi1>, vector<256x128xi32>
    %get3A_412 = arith.constant 0 : index
    %get3A_413 = arith.constant 0 : index
    %get3A_414 = arith.constant 5376 : index
    %get3A_415 = vector.load %arg3[%get3A_412, %get3A_413, %get3A_414] : memref<1x256x8192xf32, #tpu.memory_space<vmem>>, vector<1x256x128xf32>
    %get3A_416 = vector.shape_cast %get3A_415 : vector<1x256x128xf32> to vector<256x128xf32>
    %gt3A_417 = arith.cmpf ogt, %get3A_416, %select_n3A_408 : vector<256x128xf32>
    %select_n3A_418 = arith.select %gt3A_417, %get3A_416, %select_n3A_408 : vector<256x128xi1>, vector<256x128xf32>
    %jit3A_419 = arith.constant 42 : i32
    %broadcast_in_dim3A_420 = vector.broadcast %jit3A_419 : i32 to vector<256x128xi32>
    %select_n3A_421 = arith.select %gt3A_417, %broadcast_in_dim3A_420, %select_n3A_411 : vector<256x128xi1>, vector<256x128xi32>
    %get3A_422 = arith.constant 0 : index
    %get3A_423 = arith.constant 0 : index
    %get3A_424 = arith.constant 5504 : index
    %get3A_425 = vector.load %arg3[%get3A_422, %get3A_423, %get3A_424] : memref<1x256x8192xf32, #tpu.memory_space<vmem>>, vector<1x256x128xf32>
    %get3A_426 = vector.shape_cast %get3A_425 : vector<1x256x128xf32> to vector<256x128xf32>
    %gt3A_427 = arith.cmpf ogt, %get3A_426, %select_n3A_418 : vector<256x128xf32>
    %select_n3A_428 = arith.select %gt3A_427, %get3A_426, %select_n3A_418 : vector<256x128xi1>, vector<256x128xf32>
    %jit3A_429 = arith.constant 43 : i32
    %broadcast_in_dim3A_430 = vector.broadcast %jit3A_429 : i32 to vector<256x128xi32>
    %select_n3A_431 = arith.select %gt3A_427, %broadcast_in_dim3A_430, %select_n3A_421 : vector<256x128xi1>, vector<256x128xi32>
    %get3A_432 = arith.constant 0 : index
    %get3A_433 = arith.constant 0 : index
    %get3A_434 = arith.constant 5632 : index
    %get3A_435 = vector.load %arg3[%get3A_432, %get3A_433, %get3A_434] : memref<1x256x8192xf32, #tpu.memory_space<vmem>>, vector<1x256x128xf32>
    %get3A_436 = vector.shape_cast %get3A_435 : vector<1x256x128xf32> to vector<256x128xf32>
    %gt3A_437 = arith.cmpf ogt, %get3A_436, %select_n3A_428 : vector<256x128xf32>
    %select_n3A_438 = arith.select %gt3A_437, %get3A_436, %select_n3A_428 : vector<256x128xi1>, vector<256x128xf32>
    %jit3A_439 = arith.constant 44 : i32
    %broadcast_in_dim3A_440 = vector.broadcast %jit3A_439 : i32 to vector<256x128xi32>
    %select_n3A_441 = arith.select %gt3A_437, %broadcast_in_dim3A_440, %select_n3A_431 : vector<256x128xi1>, vector<256x128xi32>
    %get3A_442 = arith.constant 0 : index
    %get3A_443 = arith.constant 0 : index
    %get3A_444 = arith.constant 5760 : index
    %get3A_445 = vector.load %arg3[%get3A_442, %get3A_443, %get3A_444] : memref<1x256x8192xf32, #tpu.memory_space<vmem>>, vector<1x256x128xf32>
    %get3A_446 = vector.shape_cast %get3A_445 : vector<1x256x128xf32> to vector<256x128xf32>
    %gt3A_447 = arith.cmpf ogt, %get3A_446, %select_n3A_438 : vector<256x128xf32>
    %select_n3A_448 = arith.select %gt3A_447, %get3A_446, %select_n3A_438 : vector<256x128xi1>, vector<256x128xf32>
    %jit3A_449 = arith.constant 45 : i32
    %broadcast_in_dim3A_450 = vector.broadcast %jit3A_449 : i32 to vector<256x128xi32>
    %select_n3A_451 = arith.select %gt3A_447, %broadcast_in_dim3A_450, %select_n3A_441 : vector<256x128xi1>, vector<256x128xi32>
    %get3A_452 = arith.constant 0 : index
    %get3A_453 = arith.constant 0 : index
    %get3A_454 = arith.constant 5888 : index
    %get3A_455 = vector.load %arg3[%get3A_452, %get3A_453, %get3A_454] : memref<1x256x8192xf32, #tpu.memory_space<vmem>>, vector<1x256x128xf32>
    %get3A_456 = vector.shape_cast %get3A_455 : vector<1x256x128xf32> to vector<256x128xf32>
    %gt3A_457 = arith.cmpf ogt, %get3A_456, %select_n3A_448 : vector<256x128xf32>
    %select_n3A_458 = arith.select %gt3A_457, %get3A_456, %select_n3A_448 : vector<256x128xi1>, vector<256x128xf32>
    %jit3A_459 = arith.constant 46 : i32
    %broadcast_in_dim3A_460 = vector.broadcast %jit3A_459 : i32 to vector<256x128xi32>
    %select_n3A_461 = arith.select %gt3A_457, %broadcast_in_dim3A_460, %select_n3A_451 : vector<256x128xi1>, vector<256x128xi32>
    %get3A_462 = arith.constant 0 : index
    %get3A_463 = arith.constant 0 : index
    %get3A_464 = arith.constant 6016 : index
    %get3A_465 = vector.load %arg3[%get3A_462, %get3A_463, %get3A_464] : memref<1x256x8192xf32, #tpu.memory_space<vmem>>, vector<1x256x128xf32>
    %get3A_466 = vector.shape_cast %get3A_465 : vector<1x256x128xf32> to vector<256x128xf32>
    %gt3A_467 = arith.cmpf ogt, %get3A_466, %select_n3A_458 : vector<256x128xf32>
    %select_n3A_468 = arith.select %gt3A_467, %get3A_466, %select_n3A_458 : vector<256x128xi1>, vector<256x128xf32>
    %jit3A_469 = arith.constant 47 : i32
    %broadcast_in_dim3A_470 = vector.broadcast %jit3A_469 : i32 to vector<256x128xi32>
    %select_n3A_471 = arith.select %gt3A_467, %broadcast_in_dim3A_470, %select_n3A_461 : vector<256x128xi1>, vector<256x128xi32>
    %get3A_472 = arith.constant 0 : index
    %get3A_473 = arith.constant 0 : index
    %get3A_474 = arith.constant 6144 : index
    %get3A_475 = vector.load %arg3[%get3A_472, %get3A_473, %get3A_474] : memref<1x256x8192xf32, #tpu.memory_space<vmem>>, vector<1x256x128xf32>
    %get3A_476 = vector.shape_cast %get3A_475 : vector<1x256x128xf32> to vector<256x128xf32>
    %gt3A_477 = arith.cmpf ogt, %get3A_476, %select_n3A_468 : vector<256x128xf32>
    %select_n3A_478 = arith.select %gt3A_477, %get3A_476, %select_n3A_468 : vector<256x128xi1>, vector<256x128xf32>
    %jit3A_479 = arith.constant 48 : i32
    %broadcast_in_dim3A_480 = vector.broadcast %jit3A_479 : i32 to vector<256x128xi32>
    %select_n3A_481 = arith.select %gt3A_477, %broadcast_in_dim3A_480, %select_n3A_471 : vector<256x128xi1>, vector<256x128xi32>
    %get3A_482 = arith.constant 0 : index
    %get3A_483 = arith.constant 0 : index
    %get3A_484 = arith.constant 6272 : index
    %get3A_485 = vector.load %arg3[%get3A_482, %get3A_483, %get3A_484] : memref<1x256x8192xf32, #tpu.memory_space<vmem>>, vector<1x256x128xf32>
    %get3A_486 = vector.shape_cast %get3A_485 : vector<1x256x128xf32> to vector<256x128xf32>
    %gt3A_487 = arith.cmpf ogt, %get3A_486, %select_n3A_478 : vector<256x128xf32>
    %select_n3A_488 = arith.select %gt3A_487, %get3A_486, %select_n3A_478 : vector<256x128xi1>, vector<256x128xf32>
    %jit3A_489 = arith.constant 49 : i32
    %broadcast_in_dim3A_490 = vector.broadcast %jit3A_489 : i32 to vector<256x128xi32>
    %select_n3A_491 = arith.select %gt3A_487, %broadcast_in_dim3A_490, %select_n3A_481 : vector<256x128xi1>, vector<256x128xi32>
    %get3A_492 = arith.constant 0 : index
    %get3A_493 = arith.constant 0 : index
    %get3A_494 = arith.constant 6400 : index
    %get3A_495 = vector.load %arg3[%get3A_492, %get3A_493, %get3A_494] : memref<1x256x8192xf32, #tpu.memory_space<vmem>>, vector<1x256x128xf32>
    %get3A_496 = vector.shape_cast %get3A_495 : vector<1x256x128xf32> to vector<256x128xf32>
    %gt3A_497 = arith.cmpf ogt, %get3A_496, %select_n3A_488 : vector<256x128xf32>
    %select_n3A_498 = arith.select %gt3A_497, %get3A_496, %select_n3A_488 : vector<256x128xi1>, vector<256x128xf32>
    %jit3A_499 = arith.constant 50 : i32
    %broadcast_in_dim3A_500 = vector.broadcast %jit3A_499 : i32 to vector<256x128xi32>
    %select_n3A_501 = arith.select %gt3A_497, %broadcast_in_dim3A_500, %select_n3A_491 : vector<256x128xi1>, vector<256x128xi32>
    %get3A_502 = arith.constant 0 : index
    %get3A_503 = arith.constant 0 : index
    %get3A_504 = arith.constant 6528 : index
    %get3A_505 = vector.load %arg3[%get3A_502, %get3A_503, %get3A_504] : memref<1x256x8192xf32, #tpu.memory_space<vmem>>, vector<1x256x128xf32>
    %get3A_506 = vector.shape_cast %get3A_505 : vector<1x256x128xf32> to vector<256x128xf32>
    %gt3A_507 = arith.cmpf ogt, %get3A_506, %select_n3A_498 : vector<256x128xf32>
    %select_n3A_508 = arith.select %gt3A_507, %get3A_506, %select_n3A_498 : vector<256x128xi1>, vector<256x128xf32>
    %jit3A_509 = arith.constant 51 : i32
    %broadcast_in_dim3A_510 = vector.broadcast %jit3A_509 : i32 to vector<256x128xi32>
    %select_n3A_511 = arith.select %gt3A_507, %broadcast_in_dim3A_510, %select_n3A_501 : vector<256x128xi1>, vector<256x128xi32>
    %get3A_512 = arith.constant 0 : index
    %get3A_513 = arith.constant 0 : index
    %get3A_514 = arith.constant 6656 : index
    %get3A_515 = vector.load %arg3[%get3A_512, %get3A_513, %get3A_514] : memref<1x256x8192xf32, #tpu.memory_space<vmem>>, vector<1x256x128xf32>
    %get3A_516 = vector.shape_cast %get3A_515 : vector<1x256x128xf32> to vector<256x128xf32>
    %gt3A_517 = arith.cmpf ogt, %get3A_516, %select_n3A_508 : vector<256x128xf32>
    %select_n3A_518 = arith.select %gt3A_517, %get3A_516, %select_n3A_508 : vector<256x128xi1>, vector<256x128xf32>
    %jit3A_519 = arith.constant 52 : i32
    %broadcast_in_dim3A_520 = vector.broadcast %jit3A_519 : i32 to vector<256x128xi32>
    %select_n3A_521 = arith.select %gt3A_517, %broadcast_in_dim3A_520, %select_n3A_511 : vector<256x128xi1>, vector<256x128xi32>
    %get3A_522 = arith.constant 0 : index
    %get3A_523 = arith.constant 0 : index
    %get3A_524 = arith.constant 6784 : index
    %get3A_525 = vector.load %arg3[%get3A_522, %get3A_523, %get3A_524] : memref<1x256x8192xf32, #tpu.memory_space<vmem>>, vector<1x256x128xf32>
    %get3A_526 = vector.shape_cast %get3A_525 : vector<1x256x128xf32> to vector<256x128xf32>
    %gt3A_527 = arith.cmpf ogt, %get3A_526, %select_n3A_518 : vector<256x128xf32>
    %select_n3A_528 = arith.select %gt3A_527, %get3A_526, %select_n3A_518 : vector<256x128xi1>, vector<256x128xf32>
    %jit3A_529 = arith.constant 53 : i32
    %broadcast_in_dim3A_530 = vector.broadcast %jit3A_529 : i32 to vector<256x128xi32>
    %select_n3A_531 = arith.select %gt3A_527, %broadcast_in_dim3A_530, %select_n3A_521 : vector<256x128xi1>, vector<256x128xi32>
    %get3A_532 = arith.constant 0 : index
    %get3A_533 = arith.constant 0 : index
    %get3A_534 = arith.constant 6912 : index
    %get3A_535 = vector.load %arg3[%get3A_532, %get3A_533, %get3A_534] : memref<1x256x8192xf32, #tpu.memory_space<vmem>>, vector<1x256x128xf32>
    %get3A_536 = vector.shape_cast %get3A_535 : vector<1x256x128xf32> to vector<256x128xf32>
    %gt3A_537 = arith.cmpf ogt, %get3A_536, %select_n3A_528 : vector<256x128xf32>
    %select_n3A_538 = arith.select %gt3A_537, %get3A_536, %select_n3A_528 : vector<256x128xi1>, vector<256x128xf32>
    %jit3A_539 = arith.constant 54 : i32
    %broadcast_in_dim3A_540 = vector.broadcast %jit3A_539 : i32 to vector<256x128xi32>
    %select_n3A_541 = arith.select %gt3A_537, %broadcast_in_dim3A_540, %select_n3A_531 : vector<256x128xi1>, vector<256x128xi32>
    %get3A_542 = arith.constant 0 : index
    %get3A_543 = arith.constant 0 : index
    %get3A_544 = arith.constant 7040 : index
    %get3A_545 = vector.load %arg3[%get3A_542, %get3A_543, %get3A_544] : memref<1x256x8192xf32, #tpu.memory_space<vmem>>, vector<1x256x128xf32>
    %get3A_546 = vector.shape_cast %get3A_545 : vector<1x256x128xf32> to vector<256x128xf32>
    %gt3A_547 = arith.cmpf ogt, %get3A_546, %select_n3A_538 : vector<256x128xf32>
    %select_n3A_548 = arith.select %gt3A_547, %get3A_546, %select_n3A_538 : vector<256x128xi1>, vector<256x128xf32>
    %jit3A_549 = arith.constant 55 : i32
    %broadcast_in_dim3A_550 = vector.broadcast %jit3A_549 : i32 to vector<256x128xi32>
    %select_n3A_551 = arith.select %gt3A_547, %broadcast_in_dim3A_550, %select_n3A_541 : vector<256x128xi1>, vector<256x128xi32>
    %get3A_552 = arith.constant 0 : index
    %get3A_553 = arith.constant 0 : index
    %get3A_554 = arith.constant 7168 : index
    %get3A_555 = vector.load %arg3[%get3A_552, %get3A_553, %get3A_554] : memref<1x256x8192xf32, #tpu.memory_space<vmem>>, vector<1x256x128xf32>
    %get3A_556 = vector.shape_cast %get3A_555 : vector<1x256x128xf32> to vector<256x128xf32>
    %gt3A_557 = arith.cmpf ogt, %get3A_556, %select_n3A_548 : vector<256x128xf32>
    %select_n3A_558 = arith.select %gt3A_557, %get3A_556, %select_n3A_548 : vector<256x128xi1>, vector<256x128xf32>
    %jit3A_559 = arith.constant 56 : i32
    %broadcast_in_dim3A_560 = vector.broadcast %jit3A_559 : i32 to vector<256x128xi32>
    %select_n3A_561 = arith.select %gt3A_557, %broadcast_in_dim3A_560, %select_n3A_551 : vector<256x128xi1>, vector<256x128xi32>
    %get3A_562 = arith.constant 0 : index
    %get3A_563 = arith.constant 0 : index
    %get3A_564 = arith.constant 7296 : index
    %get3A_565 = vector.load %arg3[%get3A_562, %get3A_563, %get3A_564] : memref<1x256x8192xf32, #tpu.memory_space<vmem>>, vector<1x256x128xf32>
    %get3A_566 = vector.shape_cast %get3A_565 : vector<1x256x128xf32> to vector<256x128xf32>
    %gt3A_567 = arith.cmpf ogt, %get3A_566, %select_n3A_558 : vector<256x128xf32>
    %select_n3A_568 = arith.select %gt3A_567, %get3A_566, %select_n3A_558 : vector<256x128xi1>, vector<256x128xf32>
    %jit3A_569 = arith.constant 57 : i32
    %broadcast_in_dim3A_570 = vector.broadcast %jit3A_569 : i32 to vector<256x128xi32>
    %select_n3A_571 = arith.select %gt3A_567, %broadcast_in_dim3A_570, %select_n3A_561 : vector<256x128xi1>, vector<256x128xi32>
    %get3A_572 = arith.constant 0 : index
    %get3A_573 = arith.constant 0 : index
    %get3A_574 = arith.constant 7424 : index
    %get3A_575 = vector.load %arg3[%get3A_572, %get3A_573, %get3A_574] : memref<1x256x8192xf32, #tpu.memory_space<vmem>>, vector<1x256x128xf32>
    %get3A_576 = vector.shape_cast %get3A_575 : vector<1x256x128xf32> to vector<256x128xf32>
    %gt3A_577 = arith.cmpf ogt, %get3A_576, %select_n3A_568 : vector<256x128xf32>
    %select_n3A_578 = arith.select %gt3A_577, %get3A_576, %select_n3A_568 : vector<256x128xi1>, vector<256x128xf32>
    %jit3A_579 = arith.constant 58 : i32
    %broadcast_in_dim3A_580 = vector.broadcast %jit3A_579 : i32 to vector<256x128xi32>
    %select_n3A_581 = arith.select %gt3A_577, %broadcast_in_dim3A_580, %select_n3A_571 : vector<256x128xi1>, vector<256x128xi32>
    %get3A_582 = arith.constant 0 : index
    %get3A_583 = arith.constant 0 : index
    %get3A_584 = arith.constant 7552 : index
    %get3A_585 = vector.load %arg3[%get3A_582, %get3A_583, %get3A_584] : memref<1x256x8192xf32, #tpu.memory_space<vmem>>, vector<1x256x128xf32>
    %get3A_586 = vector.shape_cast %get3A_585 : vector<1x256x128xf32> to vector<256x128xf32>
    %gt3A_587 = arith.cmpf ogt, %get3A_586, %select_n3A_578 : vector<256x128xf32>
    %select_n3A_588 = arith.select %gt3A_587, %get3A_586, %select_n3A_578 : vector<256x128xi1>, vector<256x128xf32>
    %jit3A_589 = arith.constant 59 : i32
    %broadcast_in_dim3A_590 = vector.broadcast %jit3A_589 : i32 to vector<256x128xi32>
    %select_n3A_591 = arith.select %gt3A_587, %broadcast_in_dim3A_590, %select_n3A_581 : vector<256x128xi1>, vector<256x128xi32>
    %get3A_592 = arith.constant 0 : index
    %get3A_593 = arith.constant 0 : index
    %get3A_594 = arith.constant 7680 : index
    %get3A_595 = vector.load %arg3[%get3A_592, %get3A_593, %get3A_594] : memref<1x256x8192xf32, #tpu.memory_space<vmem>>, vector<1x256x128xf32>
    %get3A_596 = vector.shape_cast %get3A_595 : vector<1x256x128xf32> to vector<256x128xf32>
    %gt3A_597 = arith.cmpf ogt, %get3A_596, %select_n3A_588 : vector<256x128xf32>
    %select_n3A_598 = arith.select %gt3A_597, %get3A_596, %select_n3A_588 : vector<256x128xi1>, vector<256x128xf32>
    %jit3A_599 = arith.constant 60 : i32
    %broadcast_in_dim3A_600 = vector.broadcast %jit3A_599 : i32 to vector<256x128xi32>
    %select_n3A_601 = arith.select %gt3A_597, %broadcast_in_dim3A_600, %select_n3A_591 : vector<256x128xi1>, vector<256x128xi32>
    %get3A_602 = arith.constant 0 : index
    %get3A_603 = arith.constant 0 : index
    %get3A_604 = arith.constant 7808 : index
    %get3A_605 = vector.load %arg3[%get3A_602, %get3A_603, %get3A_604] : memref<1x256x8192xf32, #tpu.memory_space<vmem>>, vector<1x256x128xf32>
    %get3A_606 = vector.shape_cast %get3A_605 : vector<1x256x128xf32> to vector<256x128xf32>
    %gt3A_607 = arith.cmpf ogt, %get3A_606, %select_n3A_598 : vector<256x128xf32>
    %select_n3A_608 = arith.select %gt3A_607, %get3A_606, %select_n3A_598 : vector<256x128xi1>, vector<256x128xf32>
    %jit3A_609 = arith.constant 61 : i32
    %broadcast_in_dim3A_610 = vector.broadcast %jit3A_609 : i32 to vector<256x128xi32>
    %select_n3A_611 = arith.select %gt3A_607, %broadcast_in_dim3A_610, %select_n3A_601 : vector<256x128xi1>, vector<256x128xi32>
    %get3A_612 = arith.constant 0 : index
    %get3A_613 = arith.constant 0 : index
    %get3A_614 = arith.constant 7936 : index
    %get3A_615 = vector.load %arg3[%get3A_612, %get3A_613, %get3A_614] : memref<1x256x8192xf32, #tpu.memory_space<vmem>>, vector<1x256x128xf32>
    %get3A_616 = vector.shape_cast %get3A_615 : vector<1x256x128xf32> to vector<256x128xf32>
    %gt3A_617 = arith.cmpf ogt, %get3A_616, %select_n3A_608 : vector<256x128xf32>
    %select_n3A_618 = arith.select %gt3A_617, %get3A_616, %select_n3A_608 : vector<256x128xi1>, vector<256x128xf32>
    %jit3A_619 = arith.constant 62 : i32
    %broadcast_in_dim3A_620 = vector.broadcast %jit3A_619 : i32 to vector<256x128xi32>
    %select_n3A_621 = arith.select %gt3A_617, %broadcast_in_dim3A_620, %select_n3A_611 : vector<256x128xi1>, vector<256x128xi32>
    %get3A_622 = arith.constant 0 : index
    %get3A_623 = arith.constant 0 : index
    %get3A_624 = arith.constant 8064 : index
    %get3A_625 = vector.load %arg3[%get3A_622, %get3A_623, %get3A_624] : memref<1x256x8192xf32, #tpu.memory_space<vmem>>, vector<1x256x128xf32>
    %get3A_626 = vector.shape_cast %get3A_625 : vector<1x256x128xf32> to vector<256x128xf32>
    %gt3A_627 = arith.cmpf ogt, %get3A_626, %select_n3A_618 : vector<256x128xf32>
    %select_n3A_628 = arith.select %gt3A_627, %get3A_626, %select_n3A_618 : vector<256x128xi1>, vector<256x128xf32>
    %jit3A_629 = arith.constant 63 : i32
    %broadcast_in_dim3A_630 = vector.broadcast %jit3A_629 : i32 to vector<256x128xi32>
    %select_n3A_631 = arith.select %gt3A_627, %broadcast_in_dim3A_630, %select_n3A_621 : vector<256x128xi1>, vector<256x128xi32>
    %reduce_max3A = arith.constant dense<0xFF800000> : vector<256xf32>
    %reduce_max3A_632 = vector.multi_reduction <maximumf>, %select_n3A_628, %reduce_max3A [1] : vector<256x128xf32> to vector<256xf32>
    %broadcast_in_dim3A_633 = vector.shape_cast %reduce_max3A_632 : vector<256xf32> to vector<256x1xf32>
    %iota3A = tpu.iota {dimensions = array<i32: 1>} : vector<256x128xi32>
    %mul3A = arith.constant 128 : i32
    %mul3A_634 = vector.broadcast %mul3A : i32 to vector<256x128xi32>
    %mul3A_635 = arith.muli %select_n3A_631, %mul3A_634 : vector<256x128xi32>
    %add3A = arith.addi %mul3A_635, %iota3A : vector<256x128xi32>
    %eq3A = vector.broadcast %broadcast_in_dim3A_633 : vector<256x1xf32> to vector<256x128xf32>
    %eq3A_636 = arith.cmpf oeq, %select_n3A_628, %eq3A : vector<256x128xf32>
    %jit3A_637 = arith.constant 8192 : i32
    %broadcast_in_dim3A_638 = vector.broadcast %jit3A_637 : i32 to vector<256x128xi32>
    %select_n3A_639 = arith.select %eq3A_636, %add3A, %broadcast_in_dim3A_638 : vector<256x128xi1>, vector<256x128xi32>
    %reduce_min3A = arith.constant dense<2147483647> : vector<256xi32>
    %reduce_min3A_640 = vector.multi_reduction <minsi>, %select_n3A_639, %reduce_min3A [1] : vector<256x128xi32> to vector<256xi32>
    %reshape3A = vector.shape_cast %reduce_min3A_640 : vector<256xi32> to vector<1x256xi32>
    %get3A_641 = arith.constant 0 : index
    %get3A_642 = memref.load %arg2[%get3A_641] : memref<1xi32, #tpu.memory_space<smem>>
    %add3A_643 = vector.broadcast %get3A_642 : i32 to vector<1x256xi32>
    %add3A_644 = arith.addi %reshape3A, %add3A_643 : vector<1x256xi32>
    %mul3A_645 = arith.constant 4 : i32
    %mul3A_646 = arith.muli %arg0, %mul3A_645 : i32
    %add3A_647 = arith.addi %mul3A_646, %arg1 : i32
    %mul3A_648 = arith.constant 256 : i32
    %mul3A_649 = arith.muli %add3A_647, %mul3A_648 : i32
    %squeeze3A = vector.shape_cast %add3A_644 : vector<1x256xi32> to vector<256xi32>
    %swap3A = arith.constant 0 : index
    %swap3A_650 = arith.index_cast %mul3A_649 : i32 to index
    %swap3A_651 = vector.load %arg4[%swap3A, %swap3A_650] : memref<1x8192xi32, #tpu.memory_space<vmem>>, vector<1x256xi32>
    %swap3A_652 = vector.shape_cast %swap3A_651 : vector<1x256xi32> to vector<256xi32>
    %swap3A_653 = vector.shape_cast %squeeze3A : vector<256xi32> to vector<1x256xi32>
    tpu.vector_store %arg4[%swap3A, %swap3A_650], %swap3A_653 {strides = array<i32>} : memref<1x8192xi32, #tpu.memory_space<vmem>>, vector<1x256xi32>,
    %squeeze3A_654 = vector.shape_cast %add3A_644 : vector<1x256xi32> to vector<256xi32>
    %jit3A_655 = arith.constant 0 : i32
    %jit3A_656 = arith.constant 8191 : i32
    %max3A = vector.broadcast %jit3A_655 : i32 to vector<256xi32>
    %max3A_657 = arith.maxsi %max3A, %squeeze3A_654 : vector<256xi32>
    %min3A = vector.broadcast %jit3A_656 : i32 to vector<256xi32>
    %min3A_658 = arith.minsi %min3A, %max3A_657 : vector<256xi32>
    %swap3A_659 = arith.constant 0 : index
    %swap3A_660 = arith.index_cast %mul3A_649 : i32 to index
    %swap3A_661 = vector.load %arg5[%swap3A_659, %swap3A_660] : memref<1x8192xi32, #tpu.memory_space<vmem>>, vector<1x256xi32>
    %swap3A_662 = vector.shape_cast %swap3A_661 : vector<1x256xi32> to vector<256xi32>
    %swap3A_663 = vector.shape_cast %min3A_658 : vector<256xi32> to vector<1x256xi32>
    tpu.vector_store %arg5[%swap3A_659, %swap3A_660], %swap3A_663 {strides = array<i32>} : memref<1x8192xi32, #tpu.memory_space<vmem>>, vector<1x256xi32>,
    return
  }
  func.func @transform_0(%arg0: i32, %arg1: i32) -> i32 {
    %c0_i32 = arith.constant 0 : i32
    %c0_i32_0 = arith.constant 0 : i32
    return %c0_i32 : i32
  }
  func.func @transform_1(%arg0: i32, %arg1: i32) -> (i32, i32, i32) {
    %c0_i32 = arith.constant 0 : i32
    %c0_i32_0 = arith.constant 0 : i32
    return %arg0, %arg1, %c0_i32 : i32, i32, i32
  }
  func.func @transform_2(%arg0: i32, %arg1: i32) -> (i32, i32) {
    %c0_i32 = arith.constant 0 : i32
    %c0_i32_0 = arith.constant 0 : i32
    %c0_i32_1 = arith.constant 0 : i32
    return %c0_i32, %c0_i32_0 : i32, i32
  }
  func.func @transform_3(%arg0: i32, %arg1: i32) -> (i32, i32) {
    %c0_i32 = arith.constant 0 : i32
    %c0_i32_0 = arith.constant 0 : i32
    %c0_i32_1 = arith.constant 0 : i32
    return %c0_i32, %c0_i32_0 : i32, i32
  }
}

</mosaic_0001>

<sc_bundles>
// kernel: kernel.4.cloned.1.call-start
scs
__scs_entry_jumppad:
0x0: {  	(pc) =	sbr.rel $0x88, $3  }
0x1: {  	(tag) =	ssettag $0x0;
	lr =	simm.s32 $0x1  }
0x2: {  	[smem:$0x3F9E] =	sst lr;
	_ =	strace $0xD0000000  }
0x3: {  	_ = 	snop  }
0x4: {  	_ = 	snop  }
0x5: {  	_ = 	snop  }
0x6: {  	_ = 	snop  }
0x7: {  	_ = 	snop  }
__scs_overlays_trampoline_lowered:
0x8: {  	[smem:$0x3FAD] =	sst s0  }
0x9: {  	[smem:$0x3FAE] =	sst s1  }
0xa: {  	[smem:$0x3FAF] =	sst s2  }
0xb: {  	[smem:$0x3FB0] =	sst s3  }
0xc: {  	[smem:$0x3FB1] =	sst s4  }
0xd: {  	[smem:$0x3FB2] =	sst s5  }
0xe: {  	[smem:$0x3FB3] =	sst s6  }
0xf: {  	[smem:$0x3FB4] =	sst s7  }
0x10: {  	[smem:$0x3FB5] =	sst s8  }
0x11: {  	[smem:$0x3FB6] =	sst s9;
	s0 =	simm.s32 @!p0 $0x0  }
0x12: {  	s1 =	sld [smem:$0x3F9C];
	s0 =	simm.s32 @p0 $0x1  }
0x13: {  	[smem:$0x3FB7] =	sst s0;
	s0 =	simm.s32 @!p1 $0x0  }
0x14: {  	s2 =	sld [smem:$0x3F9B];
	s0 =	simm.s32 @p1 $0x1  }
0x15: {  	[smem:$0x3FB8] =	sst s0;
	s0 =	simm.s32 @!p2 $0x0  }
0x16: {  	s3 =	sld [smem:$0x3FDB];
	s0 =	simm.s32 @p2 $0x1  }
0x17: {  	s4 =	simm.s32 $0x1BF5;
	[smem:$0x3FBA] =	sst s0  }
0x18: {  	s0 =	sld [smem:$0x3F9D];
	_ =	swait.ge [sflag:s4], $0x0  }
0x19: {  	s7 =	sld [smem:$0x3F9E]  }
0x1a: {  	s8 =	sadd.s32 $0xFFFFE003, lr  }
0x1b: {  	s9 =	sadd.s32 $0xFFFFFEF7, lr;
	s5 =	simm.s32 $0xFFFFFFFF;
	p2 =	slt.u32 s8, $0xFFFFF086  }
0x1c: {  	p1 =	slt.u32 s9, $0xF7A;
	s5 =	simm.s32 @!p2 $0x0  }
0x1d: {  	s5 =	simm.s32 @p1 $0x1;
	p0 =	seq.s32 s7, s2  }
0x1e: {  	s7 =	smul.u32 @!p0 $0xF7A, s2;
	p2 =	seq.s32 @!p0 s5, $0x0  }
0x1f: {  	s9 =	smul.u32 $0xF7A, s1;
	s8 =	simm.s32 @!p0 $0x1BF5;
	p2 =	por !p2, p0  }
0x20: {  	[sflag:s8] =	ssyncset.s32 @!p0 $0xFFFFF086;
	s6 =	sadd.s32 @!p0 s3, s7;
	s7 =	simm.s32 @!p0 $0x108  }
0x21: {  	s3 =	sadd.s32 s3, s9;
	s6 =	sadd.s32 @!p0 $0x88, s6;
	s7 =	simm.s32 @p2 $0x1082  }
0x22: {  	[simem:s7], [sflag:s8] =	dma.local @!p0 [hbm:s6], $0xF7A  }
0x23: {  	s9 =	sor.u32 $0xD0000000, s2;
	s6 =	simm.s32 $0x108;
	_ =	swait.ge @!p0 [sflag:s8], $0x0  }
0x24: {  	s3 =	sadd.s32 $0x88, s3;
	s6 =	simm.s32 @!p1 $0x1082;
	[sflag:s4] =	ssyncset.s32 $0xFFFFF086  }
0x25: {  	[simem:s6], [sflag:s4] =	dma.local [hbm:s3], $0xF7A  }
0x26: {  	[smem:$0x3F9E] =	sst s1;
	(tag) =	ssettag s2;
	_ =	strace s9  }
0x27: {  	s1 =	sld [smem:$0x3FAE]  }
0x28: {  	s2 =	sld [smem:$0x3FAF]  }
0x29: {  	s4 =	sld [smem:$0x3FB1]  }
0x2a: {  	p0 =	seq.s32 s5, $0x0;
	s5 =	sld [smem:$0x3FB2]  }
0x2b: {  	s6 =	sld [smem:$0x3FB3]  }
0x2c: {  	s7 =	sld [smem:$0x3FB4]  }
0x2d: {  	s3 =	simm.s32 $0x108;
	s8 =	sld [smem:$0x3FB5]  }
0x2e: {  	s3 =	simm.s32 @!p0 $0x1082;
	s9 =	sld [smem:$0x3FB6]  }
0x2f: {  	lr =	sadd.s32 s0, s3;
	s0 =	sld [smem:$0x3FAD]  }
0x30: {  	s3 =	sld [smem:$0x3FB0]  }
0x31: {  	[smem:$0x3FB9] =	sst s10  }
0x32: {  	s10 =	sld [smem:$0x3FB7];
	_ =	sdelay $0x3  }
0x33: {  	p0 =	seq.s32 s10, $0x1;
	s10 =	sld [smem:$0x3FB9];
	_ =	sdelay $0x3  }
0x34: {  	[smem:$0x3FB9] =	sst s10  }
0x35: {  	s10 =	sld [smem:$0x3FB8];
	_ =	sdelay $0x3  }
0x36: {  	p1 =	seq.s32 s10, $0x1;
	s10 =	sld [smem:$0x3FB9];
	_ =	sdelay $0x3  }
0x37: {  	[smem:$0x3FB9] =	sst s10  }
0x38: {  	s10 =	sld [smem:$0x3FBA]  }
0x39: {  	_ = 	snop;
	(pc) =	sbr.ind lr, $3  }
0x3a: {  	_ = 	snop  }
0x3b: {  	_ = 	snop  }
0x3c: {  	p2 =	seq.s32 s10, $0x1;
	s10 =	sld [smem:$0x3FB9]  }
0x3d: {  	_ =	shalt  }
0x3e: {  	_ =	shalt  }
0x3f: {  	_ =	shalt  }
0x40: {  	_ =	shalt  }
0x41: {  	_ =	shalt  }
0x42: {  	_ =	shalt  }
0x43: {  	_ =	shalt  }
0x44: {  	_ =	shalt  }
0x45: {  	_ =	shalt  }
0x46: {  	_ =	shalt  }
0x47: {  	_ =	shalt  }
0x48: {  	_ =	shalt  }
0x49: {  	_ =	shalt  }
0x4a: {  	_ =	shalt  }
0x4b: {  	_ =	shalt  }
0x4c: {  	_ =	shalt  }
0x4d: {  	_ =	shalt  }
0x4e: {  	_ =	shalt  }
0x4f: {  	_ =	shalt  }
0x50: {  	_ =	shalt  }
0x51: {  	_ =	shalt  }
0x52: {  	_ =	shalt  }
0x53: {  	_ =	shalt  }
0x54: {  	_ =	shalt  }
0x55: {  	_ =	shalt  }
0x56: {  	_ =	shalt  }
0x57: {  	_ =	shalt  }
0x58: {  	_ =	shalt  }
0x59: {  	_ =	shalt  }
0x5a: {  	_ =	shalt  }
0x5b: {  	_ =	shalt  }
0x5c: {  	_ =	shalt  }
0x5d: {  	_ =	shalt  }
0x5e: {  	_ =	shalt  }
0x5f: {  	_ =	shalt  }
0x60: {  	_ =	shalt  }
0x61: {  	_ =	shalt  }
0x62: {  	_ =	shalt  }
0x63: {  	_ =	shalt  }
0x64: {  	_ =	shalt  }
0x65: {  	_ =	shalt  }
0x66: {  	_ =	shalt  }
0x67: {  	_ =	shalt  }
0x68: {  	_ =	shalt  }
0x69: {  	_ =	shalt  }
0x6a: {  	_ =	shalt  }
0x6b: {  	_ =	shalt  }
0x6c: {  	_ =	shalt  }
0x6d: {  	_ =	shalt  }
0x6e: {  	_ =	shalt  }
0x6f: {  	_ =	shalt  }
0x70: {  	_ =	shalt  }
0x71: {  	_ =	shalt  }
0x72: {  	_ =	shalt  }
0x73: {  	_ =	shalt  }
0x74: {  	_ =	shalt  }
0x75: {  	_ =	shalt  }
0x76: {  	_ =	shalt  }
0x77: {  	_ =	shalt  }
0x78: {  	_ =	shalt  }
0x79: {  	_ =	shalt  }
0x7a: {  	_ =	shalt  }
0x7b: {  	_ =	shalt  }
0x7c: {  	_ =	shalt  }
0x7d: {  	_ =	shalt  }
0x7e: {  	_ =	shalt  }
0x7f: {  	_ =	shalt  }
0x80: {  	_ =	shalt  }
0x81: {  	_ =	shalt  }
0x82: {  	_ =	shalt  }
0x83: {  	_ =	shalt  }
0x84: {  	_ =	shalt  }
0x85: {  	_ =	shalt  }
0x86: {  	_ =	shalt  }
0x87: {  	_ =	shalt  }
.Lfunc_end0:
.L_simem_size_0:
called_computation_lowered:
.L_overlay_start_0:
0x88: {  	s2 =	sld [smem:$0x3FD9]  }
0x89: {  	s3 =	sld [smem:$0x3FFE];
	_ =	sdelay $0x1  }
0x8a: {  	s1 =	srdreg.scid  }
0x8b: {  	s0 =	sand.u32 $0x1, s1  }
0x8c: {  	s14 =	sshll.u32 s0, $0xA;
	s2 =	sadd.s32 s3, s2  }
0x8d: {  	s2 =	sadd.s32 s2, s14  }
0x8e: {  	[smem:$0x3FC5] =	sst s2  }
0x8f: {  	_ = 	snop  }
0x90: {  	s2 =	sld [smem:$0x3FD0];
	_ =	sdelay $0x2  }
0x91: {  	s4 =	simm.s32 $0xA;
	s5 =	simm.s32 $0x10;
	s15 =	sld [smem:$0x3FC7]  }
0x92: {  	[smem:s5], [sflag:s4] =	dma.local [hbm:s2], $0x1  }
0x93: {  	_ =	swait.eq [sflag:s4], $0x1  }
0x94: {  	[sflag:s4] =	ssyncset.done $0x0  }
0x95: {  	[sflag:s4] =	ssyncadd.s32 $0xFFFFFFFF  }
0x96: {  	s16 =	sld [smem:$0x10];
	(tm) =	ssettm $0x1  }
0x97: {  	s17 =	sld [smem:$0x3FFB];
	_ =	sdelay $0x3  }
0x98: {  	_ =	strace s17  }
0x99: {  	s4 =	sld [smem:$0x3FFC];
	_ =	sdelay $0x3  }
0x9a: {  	_ =	strace s4  }
0x9b: {  	s4 =	sld [smem:$0x3FFD];
	_ =	sdelay $0x3  }
0x9c: {  	_ =	strace s4  }
0x9d: {  	_ =	strace $0x8FFFFFFF  }
0x9e: {  	s18 =	sld [smem:$0x3FDB];
	_ =	sdelay $0x1  }
0x9f: {  	s19 =	simm.s32 $_scs_section_size  }
0xa0: {  	s6 =	simm.s32 $_size__tile_overlayer_lowered;
	s7 =	simm.s32 $_tile_overlayer_lowered  }
0xa1: {  	s22 =	simm.s32 $0x1BFF;
	s21 =	sshll.u32 s7, $0x1;
	s4 =	sadd.s32 s19, s18  }
0xa2: {  	s8 =	simm.s32 $0x0;
	s20 =	sshll.u32 s6, $0x1;
	s6 =	sadd.s32 s21, s4  }
0xa3: {  	[timem:s8], [sflag:s22] =	dma.local [hbm:s6], s20  }
0xa4: {  	_ =	swait.ge [sflag:s22], s20  }
0xa5: {  	s5 =	ssub.s32 $0x0, s20;
	[sflag:s22] =	ssyncset.done $0x0  }
0xa6: {  	[sflag:s22] =	ssyncadd.s32 s5;
	_ =	sdelay $0x1  }
0xa7: {  	s23 =	simm.s32 $0x1B8B  }
0xa8: {  	_ =	swait.ge [sflag:s23], $0x1  }
0xa9: {  	[sflag:s23] =	ssyncset.done $0x0  }
0xaa: {  	s25 =	simm.s32 $0x1B8E;
	s24 =	sld [smem:$0x3FFE];
	[sflag:s23] =	ssyncadd.s32 $0xFFFFFFFF  }
0xab: {  	s26 =	simm.s32 $execute0_lowered;
	[smem:$0x3FD2] =	sst s25  }
0xac: {  	s6 =	sshll.u32 s26, $0x1;
	_ =	strace $0x80000046;
	[dreg:$0x1] =	wrdreg $0xFFFFFFFF  }
0xad: {  	s28 =	simm.s32 $_size_execute0_lowered;
	s4 =	sadd.s32 s4, s6;
	[dreg:$0x0] =	wrdreg $0x0  }
0xae: {  	s6 =	sshll.u32 s28, $0x1;
	[dreg:$0x2] =	wrdreg s4  }
0xaf: {  	[dreg:$0x3] =	wrdreg s6  }
0xb0: {  	[dreg:$0x4] =	wrdreg $0xC0  }
0xb1: {  	_ =	task [dreg:s8], $0x5FFFF  }
0xb2: {  	[dreg:$0x1] =	wrdreg $0xFFFFFFFF  }
0xb3: {  	[dreg:$0x0] =	wrdreg $0x60  }
0xb4: {  	[dreg:$0x2] =	wrdreg s15  }
0xb5: {  	[dreg:$0x3] =	wrdreg s24  }
0xb6: {  	[dreg:$0x4] =	wrdreg s16  }
0xb7: {  	[dreg:$0x5] =	wrdreg $0x9  }
0xb8: {  	_ =	task.clear_ibuf [dreg:s8], $0x6FFFF;
	_ =	strace $0x90000046  }
0xb9: {  	s29 =	simm.s32 $0x9;
	_ =	strace $0x8000004F  }
0xba: {  	_ =	swait.ge [sflag:s29], $0x1  }
0xbb: {  	[sflag:s29] =	ssyncadd.s32 $0xFFFFFFFF  }
0xbc: {  	_ =	strace $0x9000004F  }
0xbd: {  	_ =	sfence  }
0xbe: {  	s30 =	sld [smem:$0x0];
	_ =	sdelay $0x2  }
0xbf: {  	s31 =	sshll.u32 s1, $0xD;
	s1 =	sshrl.u32 s1, $0x2  }
0xc0: {  	s3 =	sand.u32 $0x4000, s31;
	s1 =	sadd.s32 s1, s30  }
0xc1: {  	s0 =	sor.u32 s3, s0;
	s1 =	sshll.u32 s1, $0x11  }
0xc2: {  	s0 =	sor.u32 s1, s0  }
0xc3: {  	s0 =	sadd.s32 $0x8F2B, s0  }
0xc4: {  	[sflag:s0] =	ssyncadd.remote.s32 $0x1  }
0xc5: {  	_ =	sfence.sel $0xFFFF  }
0xc6: {  	[dreg:$0x0] =	wrdreg $0xFFFFFFFF;
	(pc) =	sbr.abs _section_cstart, $3  }
0xc7: {  	[dreg:$0x1] =	wrdreg $0xFFFFFFFF  }
0xc8: {  	_ =	task.clear_ibuf [dreg:s8], $0x2FFFF;
	_ =	strace $0x9FFFFFFF  }
0xc9: {  	(tm) =	ssettm $0x7FFFFFFF  }
tec
execute0_lowered:
.L_overlay_start_1:
0x0: {  	(tag) =	ssettag $0x1  }
0x1: {  	s1 =	rddreg [dreg:$0x0]  }
0x2: {  	s5 =	rddreg [dreg:$0x1]  }
0x3: {  	s2 =	rddreg [dreg:$0x2]  }
0x4: {  	s0 =	rddreg [dreg:$0x3];
	s4 =	simm.s32 $0x0;
	s3 =	srdreg.scid  }
0x5: {  	s9 =	simm.s32 $0x5;
	s10 =	simm.s32 $0x4;
	s11 =	simm.s32 $0x0  }
.Ltmp0:
0x6: {  	[smem:$0x7FF] =	sst s4;
	s6 =	sand.u32 $0x1, s3;
	(pc) =	sbr.rel .LBB2_1-.Ltmp0, $4  }
0x7: {  	s3 =	stileid.u32;
	s7 =	ssub.s32 $0x2, s6;
	s6 =	sshll.u32 s6, $0x4  }
0x8: {  	v2 =	vlaneseq.u32;
	s5 =	sadd.s32 $0x400, s5;
	s8 =	sshrl.u32 s7, $0x1;
	s6 =	sor.u32 s3, s6  }
0x9: {  	vm0 =	vmmov $0xffff;
	v1 =	vshrl.u32 v2, $0x3;
	_ =	strace $0x80000047;
	s8 =	ssub.s32 s7, s8;
	s31 =	sshll.u32 s6, $0x5  }
0xa: {  	v0 =	vand.u32 $0x7, v2;
	v2 =	vor.u32 $0x8, v2;
	v1 =	vmul.u32 $0x8, v1;
	s6 =	sshll.u32 s6, $0x1;
	s7 =	sadd.s32 s5, s31;
	s8 =	smax.u32 s8, $0x1  }
.LBB2_4:
0xb: {  	s12 =	sand.u32 $0x1, s12  }
0xc: {  	_ =	strace $0x8000004D;
	s12 =	sadd.s32 $0x3, s12  }
0xd: {  	_ =	swait.ge [sflag:s12], $0x8000  }
0xe: {  	[sflag:s12] =	ssyncset.done $0x0  }
0xf: {  	s11 =	sadd.s32 $0x1, s11;
	[sflag:s12] =	ssyncadd.s32 $0xFFFF8000  }
0x10: {  	p0 =	sne.s32 s11, s8;
	_ =	strace $0x9000004D  }
.Ltmp1:
0x11: {  	_ =	strace $0x8000004E;
	(pc) =	sbr.rel @!p0 .LBB2_5-.Ltmp1, $4  }
0x12: {  	_ =	swait.ge [sflag:s10], $0x8000  }
0x13: {  	[sflag:s10] =	ssyncset.done $0x0  }
0x14: {  	[sflag:s10] =	ssyncadd.s32 $0xFFFF8000  }
0x15: {  	_ =	strace $0x9000004E  }
.LBB2_1:
0x16: {  	_ =	strace $0x80000048  }
0x17: {  	p0 =	por $0x1, $0x1;
	p2 =	por $0x0, $0x0;
	s13 =	simm.s32 $0x0  }
0x18: {  	s12 =	simm.s32 $0x0;
	s17 =	simm.s32 $0x0;
	s14 =	simm.s32 $0x0  }
0x19: {  	[tilespmem:s4], [sflag:$0x1] =	stream.linear.gather [hbm4b:s7+s4], $0x80, $0x200038;
	[tilespmem:$0x10100] =	vst v63  }
0x1a: {  	s15 =	simm.s32 $0x1;
	s16 =	simm.s32 $0x0;
	_ =	strace $0x90000048  }
.LBB2_2:
0x1b: {  	s18 =	smov.u32 s13;
	s13 =	sadd.s32 $0x1, s13  }
0x1c: {  	p1 =	seq.s32 s13, $0x2  }
0x1d: {  	s13 =	simm.s32 @p1 $0x0  }
0x1e: {  	p1 =	sne.s32 s18, s13  }
0x1f: {  	p1 =	por !p0, !p1  }
0x20: {  	p1 =	por !p1, !p1  }
0x21: {  	s19 =	sadd.s32 @p1 s6, s13  }
0x22: {  	s20 =	sand.u32 @p1 $0x1, s15;
	s19 =	sshll.u32 @p1 s19, $0x4  }
0x23: {  	_ =	strace @p1 $0x80000049;
	s22 =	simm.s32 @p1 $0x0;
	s19 =	sand.u32 @p1 $0x1FFFFFF0, s19  }
0x24: {  	s21 =	sshll.u32 @p1 s20, $0x7;
	s20 =	sadd.s32 @p1 $0x1, s20;
	s19 =	sadd.s32 @p1 s5, s19  }
0x25: {  	[tilespmem:s21], [sflag:s20] =	stream.linear.gather @p1 [hbm4b:s19+s22], $0x80, $0x200038;
	[tilespmem:$0x10100] =	vst v63  }
0x26: {  	s23 =	sand.u32 $0x1, s14;
	_ =	strace @p1 $0x90000049  }
0x27: {  	s19 =	sadd.s32 $0x1, s23;
	_ =	strace $0x8000004A  }
0x28: {  	_ =	swait.ge [sflag:s19], $0x80  }
0x29: {  	[sflag:s19] =	ssyncset.done $0x0  }
0x2a: {  	[sflag:s19] =	ssyncadd.s32 $0xFFFFFF80  }
0x2b: {  	s24 =	sshll.u32 s14, $0x7;
	_ =	strace $0x9000004A  }
0x2c: {  	s22 =	sand.u32 $0x80, s24;
	_ =	strace $0x8000004B  }
0x2d: {  	v3 =	vld [tilespmem:s22+$0x0];
	_ =	sdelay $0x4  }
0x2e: {  	v4 =	vshll.u32 v3, $0x1  }
0x2f: {  	v3 =	vand.u32 $0x7, v3;
	v4 =	vand.u32 $0xFFFFFFF0, v4  }
0x30: {  	v3 =	vor.u32 v3, v4  }
0x31: {  	v4 =	vperm.xlane v3, v0;
	_ =	sdelay $0x1  }
0x32: {  	v3 =	vperm.xlane v3, v2;
	v4 =	vadd.s32 v1, v4;
	_ =	sdelay $0x1  }
0x33: {  	s19 =	sand.u32 $0x1, s17;
	v3 =	vadd.s32 v1, v3  }
0x34: {  	s21 =	sshll.u32 s19, $0xF  }
0x35: {  	s20 =	sor.u32 $0x100, s21  }
0x36: {  	[tilespmem:s20], [sflag:$0x5] =	stream.indirect_vreg.gather [hbm4b:s1+s4], $0x80, v4, vm0, $0x2000b8;
	[tilespmem:$0x10100] =	vst v63  }
0x37: {  	s23 =	sor.u32 $0x900, s21  }
0x38: {  	[tilespmem:s23], [sflag:$0x5] =	stream.indirect_vreg.gather [hbm4b:s1+s4], $0x80, v3, vm0, $0x2000b8;
	[tilespmem:$0x10100] =	vst v63  }
0x39: {  	v3 =	vld [tilespmem:s22+$0x10];
	_ =	sdelay $0x4  }
0x3a: {  	v57 =	vshll.u32 v3, $0x1  }
0x3b: {  	v3 =	vand.u32 $0x7, v3;
	v4 =	vand.u32 $0xFFFFFFF0, v57  }
0x3c: {  	v3 =	vor.u32 v3, v4  }
0x3d: {  	v4 =	vperm.xlane v3, v0;
	_ =	sdelay $0x1  }
0x3e: {  	v3 =	vperm.xlane v3, v2;
	v4 =	vadd.s32 v1, v4;
	_ =	sdelay $0x1  }
0x3f: {  	v3 =	vadd.s32 v1, v3;
	_ =	sdelay $0x1  }
0x40: {  	s25 =	sor.u32 $0x1100, s21  }
0x41: {  	[tilespmem:s25], [sflag:$0x5] =	stream.indirect_vreg.gather [hbm4b:s1+s4], $0x80, v4, vm0, $0x2000b8;
	[tilespmem:$0x10100] =	vst v63  }
0x42: {  	s26 =	sor.u32 $0x1900, s21  }
0x43: {  	[tilespmem:s26], [sflag:$0x5] =	stream.indirect_vreg.gather [hbm4b:s1+s4], $0x80, v3, vm0, $0x2000b8;
	[tilespmem:$0x10100] =	vst v63  }
0x44: {  	v3 =	vld [tilespmem:s22+$0x20];
	_ =	sdelay $0x4  }
0x45: {  	v58 =	vshll.u32 v3, $0x1  }
0x46: {  	v3 =	vand.u32 $0x7, v3;
	v4 =	vand.u32 $0xFFFFFFF0, v58  }
0x47: {  	v3 =	vor.u32 v3, v4  }
0x48: {  	v4 =	vperm.xlane v3, v0;
	_ =	sdelay $0x1  }
0x49: {  	v3 =	vperm.xlane v3, v2;
	v4 =	vadd.s32 v1, v4;
	_ =	sdelay $0x1  }
0x4a: {  	v3 =	vadd.s32 v1, v3;
	_ =	sdelay $0x1  }
0x4b: {  	s28 =	sor.u32 $0x2100, s21  }
0x4c: {  	[tilespmem:s28], [sflag:$0x5] =	stream.indirect_vreg.gather [hbm4b:s1+s4], $0x80, v4, vm0, $0x2000b8;
	[tilespmem:$0x10100] =	vst v63  }
0x4d: {  	s29 =	sor.u32 $0x2900, s21  }
0x4e: {  	[tilespmem:s29], [sflag:$0x5] =	stream.indirect_vreg.gather [hbm4b:s1+s4], $0x80, v3, vm0, $0x2000b8;
	[tilespmem:$0x10100] =	vst v63  }
0x4f: {  	v3 =	vld [tilespmem:s22+$0x30];
	_ =	sdelay $0x4  }
0x50: {  	v59 =	vshll.u32 v3, $0x1  }
0x51: {  	v3 =	vand.u32 $0x7, v3;
	v4 =	vand.u32 $0xFFFFFFF0, v59  }
0x52: {  	v3 =	vor.u32 v3, v4  }
0x53: {  	v4 =	vperm.xlane v3, v0;
	_ =	sdelay $0x1  }
0x54: {  	v3 =	vperm.xlane v3, v2;
	v4 =	vadd.s32 v1, v4;
	_ =	sdelay $0x1  }
0x55: {  	v3 =	vadd.s32 v1, v3;
	_ =	sdelay $0x1  }
0x56: {  	s30 =	sor.u32 $0x3100, s21  }
0x57: {  	[tilespmem:s30], [sflag:$0x5] =	stream.indirect_vreg.gather [hbm4b:s1+s4], $0x80, v4, vm0, $0x2000b8;
	[tilespmem:$0x10100] =	vst v63  }
0x58: {  	s31 =	sor.u32 $0x3900, s21  }
0x59: {  	[tilespmem:s31], [sflag:$0x5] =	stream.indirect_vreg.gather [hbm4b:s1+s4], $0x80, v3, vm0, $0x2000b8;
	[tilespmem:$0x10100] =	vst v63  }
0x5a: {  	v3 =	vld [tilespmem:s22+$0x40];
	_ =	sdelay $0x4  }
0x5b: {  	v60 =	vshll.u32 v3, $0x1  }
0x5c: {  	v3 =	vand.u32 $0x7, v3;
	v4 =	vand.u32 $0xFFFFFFF0, v60  }
0x5d: {  	v3 =	vor.u32 v3, v4  }
0x5e: {  	v4 =	vperm.xlane v3, v0;
	_ =	sdelay $0x1  }
0x5f: {  	v3 =	vperm.xlane v3, v2;
	v4 =	vadd.s32 v1, v4;
	_ =	sdelay $0x1  }
0x60: {  	v3 =	vadd.s32 v1, v3;
	_ =	sdelay $0x1  }
0x61: {  	s24 =	sor.u32 $0x4100, s21  }
0x62: {  	[tilespmem:s24], [sflag:$0x5] =	stream.indirect_vreg.gather [hbm4b:s1+s4], $0x80, v4, vm0, $0x2000b8;
	[tilespmem:$0x10100] =	vst v63  }
0x63: {  	s25 =	sor.u32 $0x4900, s21  }
0x64: {  	[tilespmem:s25], [sflag:$0x5] =	stream.indirect_vreg.gather [hbm4b:s1+s4], $0x80, v3, vm0, $0x2000b8;
	[tilespmem:$0x10100] =	vst v63  }
0x65: {  	v3 =	vld [tilespmem:s22+$0x50];
	_ =	sdelay $0x4  }
0x66: {  	v61 =	vshll.u32 v3, $0x1  }
0x67: {  	v3 =	vand.u32 $0x7, v3;
	v4 =	vand.u32 $0xFFFFFFF0, v61  }
0x68: {  	v3 =	vor.u32 v3, v4  }
0x69: {  	v4 =	vperm.xlane v3, v0;
	_ =	sdelay $0x1  }
0x6a: {  	v3 =	vperm.xlane v3, v2;
	v4 =	vadd.s32 v1, v4;
	_ =	sdelay $0x1  }
0x6b: {  	v3 =	vadd.s32 v1, v3;
	_ =	sdelay $0x1  }
0x6c: {  	s26 =	sor.u32 $0x5100, s21  }
0x6d: {  	[tilespmem:s26], [sflag:$0x5] =	stream.indirect_vreg.gather [hbm4b:s1+s4], $0x80, v4, vm0, $0x2000b8;
	[tilespmem:$0x10100] =	vst v63  }
0x6e: {  	s28 =	sor.u32 $0x5900, s21  }
0x6f: {  	[tilespmem:s28], [sflag:$0x5] =	stream.indirect_vreg.gather [hbm4b:s1+s4], $0x80, v3, vm0, $0x2000b8;
	[tilespmem:$0x10100] =	vst v63  }
0x70: {  	v3 =	vld [tilespmem:s22+$0x60];
	_ =	sdelay $0x4  }
0x71: {  	v62 =	vshll.u32 v3, $0x1  }
0x72: {  	v3 =	vand.u32 $0x7, v3;
	v4 =	vand.u32 $0xFFFFFFF0, v62  }
0x73: {  	v3 =	vor.u32 v3, v4  }
0x74: {  	v4 =	vperm.xlane v3, v0;
	_ =	sdelay $0x1  }
0x75: {  	v3 =	vperm.xlane v3, v2;
	v4 =	vadd.s32 v1, v4;
	_ =	sdelay $0x1  }
0x76: {  	v3 =	vadd.s32 v1, v3;
	_ =	sdelay $0x1  }
0x77: {  	s29 =	sor.u32 $0x6100, s21  }
0x78: {  	[tilespmem:s29], [sflag:$0x5] =	stream.indirect_vreg.gather [hbm4b:s1+s4], $0x80, v4, vm0, $0x2000b8;
	[tilespmem:$0x10100] =	vst v63  }
0x79: {  	s30 =	sor.u32 $0x6900, s21  }
0x7a: {  	[tilespmem:s30], [sflag:$0x5] =	stream.indirect_vreg.gather [hbm4b:s1+s4], $0x80, v3, vm0, $0x2000b8;
	[tilespmem:$0x10100] =	vst v63  }
0x7b: {  	v3 =	vld [tilespmem:s22+$0x70];
	_ =	sdelay $0x4  }
0x7c: {  	v63 =	vshll.u32 v3, $0x1  }
0x7d: {  	v3 =	vand.u32 $0x7, v3;
	v4 =	vand.u32 $0xFFFFFFF0, v63  }
0x7e: {  	v3 =	vor.u32 v3, v4  }
0x7f: {  	v4 =	vperm.xlane v3, v0;
	_ =	sdelay $0x1  }
0x80: {  	v3 =	vperm.xlane v3, v2;
	v4 =	vadd.s32 v1, v4;
	_ =	sdelay $0x1  }
0x81: {  	v3 =	vadd.s32 v1, v3;
	_ =	sdelay $0x1  }
0x82: {  	p2 =	por !p2, !p2;
	p3 =	seq.s32 s18, s13;
	s31 =	sor.u32 $0x7100, s21  }
0x83: {  	[tilespmem:s31], [sflag:$0x5] =	stream.indirect_vreg.gather [hbm4b:s1+s4], $0x80, v4, vm0, $0x2000b8;
	[tilespmem:$0x10100] =	vst v63  }
0x84: {  	p2 =	por !p2, !p3;
	s21 =	sor.u32 $0x7900, s21  }
0x85: {  	[tilespmem:s21], [sflag:$0x5] =	stream.indirect_vreg.gather [hbm4b:s1+s4], $0x80, v3, vm0, $0x2000b8;
	[tilespmem:$0x10100] =	vst v63  }
0x86: {  	s18 =	sadd.s32 s6, s18;
	p2 =	por !p2, !p2;
	_ =	swait.ge [sflag:s9], $0x8000  }
0x87: {  	s18 =	sshll.u32 @!p2 s18, $0xC;
	p0 =	por p2, p0;
	[sflag:s9] =	ssyncset.done $0x0  }
.Ltmp2:
0x88: {  	s18 =	sand.u32 @!p2 $0x1FFFF000, s18;
	[sflag:s9] =	ssyncadd.s32 $0xFFFF8000;
	(pc) =	sbr.rel @!p0 .LBB2_4-.Ltmp2, $4  }
0x89: {  	s18 =	sadd.s32 @!p2 s2, s18;
	_ =	strace $0x9000004B  }
0x8a: {  	s19 =	sadd.s32 @!p2 $0x3, s19;
	s21 =	simm.s32 @!p2 $0x0;
	_ =	strace @!p2 $0x8000004C  }
0x8b: {  	[hbm4b:s18+s21] =	stream.linear.scatter @!p2 [tilespmem:s20], [sflag:s19], $0x8000, $0x200038;
	[tilespmem:$0x10100] =	vst v63  }
0x8c: {  	_ =	strace @!p2 $0x9000004C  }
.Ltmp3:
0x8d: {  	s18 =	simm.s32 $0x1;
	(pc) =	sbr.rel .LBB2_2-.Ltmp3, $4  }
0x8e: {  	s19 =	simm.s32 @!p2 $0x1;
	s12 =	sadd.s32 s16, s12;
	s18 =	simm.s32 @!p1 $0x0  }
0x8f: {  	s16 =	simm.s32 $0x1;
	s15 =	sadd.s32 s18, s15;
	s18 =	sadd.s32 @!p2 $0x1, s17  }
0x90: {  	p0 =	por $0x0, $0x0;
	s19 =	simm.s32 @p2 $0x0;
	s18 =	smov.u32 @p2 s17  }
0x91: {  	s14 =	sadd.s32 s14, s19;
	p2 =	por $0x1, $0x1;
	s17 =	smov.u32 s18  }
.LBB2_5:
0x92: {  	_ =	sfence.sel $0x180000  }
0x93: {  	[bflag:$0x0] =	sbarrier.arrive $0xFFFF  }
0x94: {  	p0 =	sne.s32 s3, $0x0;
	_ =	strace $0x90000047  }
0x95: {  	s0 =	sadd.s32 @!p0 $0x100000, s0;
	[bflag:$0x2] =	sbarrier.arrive $0xFFFF  }
0x96: {  	[sflag:s0] =	ssyncadd.tile.s32 @!p0 $0x1;
	_ =	shalt  }
.Lfunc_end2:
_tile_overlayer_lowered:
.L_overlay_start_2:
0x97: {  	(tag) =	ssettag $0x2  }
0x98: {  	s0 =	rddreg [dreg:$0x0];
	s2 =	stileid.u32  }
0x99: {  	s1 =	rddreg [dreg:$0x1];
	p0 =	sne.s32 s2, $0x0  }
0x9a: {  	s3 =	rddreg [dreg:$0x2];
	[bflag:$0x3] =	sbarrier.arrive $0xFFFF;
	s2 =	simm.s32 @!p0 $0x1C01  }
0x9b: {  	[timem:s3], [sflag:s2] =	dma.local @!p0 [hbm:s0], s1  }
0x9c: {  	s0 =	simm.s32 @!p0 $0x1  }
0x9d: {  	_ =	swait.ge @!p0 [sflag:s0], s1  }
0x9e: {  	s1 =	ssub.s32 @!p0 $0x0, s1;
	[sflag:s0] =	ssyncset.done @!p0 $0x0  }
0x9f: {  	[sflag:s0] =	ssyncadd.s32 @!p0 s1  }
0xa0: {  	[bflag:$0x3] =	sbarrier.arrive $0xFFFF  }
0xa1: {  	_ =	shalt  }

</sc_bundles>
